<compile_context>
chip_gen: v7x
topology: tpu7x:2x2x1
jax: 0.10.2.dev20260603
libtpu: 0.0.44.dev20260713+nightly
codegen_flags: <defaults>
</compile_context>

<pallas_src>
import functools

import jax
import jax.numpy as jnp
from jax import lax
from jax.experimental import pallas as pl
from jax.experimental.pallas import tpu as pltpu
from jax.experimental.pallas import tpu_sc as plsc

N = 10000
NP = 10240
E = 320000
D_IN = 128
D_HID = 128
D_OUT = 64
ALPHA = 0.1
K = 10

NC = 2
NS = 16
NW = NC * NS
CHUNK = 128
CPW = 80
EPW = CPW * CHUNK
EP = NW * EPW
ROWS_PW = NP // NS
NBUF = 8
KK = 1
G = CPW // KK
NSB = 8

_BLK = 1024


def _mesh():
    return plsc.VectorSubcoreMesh(core_axis_name="c", subcore_axis_name="s")


def _sc_params():
    return pltpu.CompilerParams(use_tc_tiling_on_sc=False)


def _make_degree_kernel():
    @functools.partial(
        pl.kernel,
        out_type=[
            jax.ShapeDtypeStruct((NC * NP, 16), jnp.float32),
            jax.ShapeDtypeStruct((NC * NP, 16), jnp.float32),
        ],
        mesh=_mesh(),
        scratch_types=[
            pltpu.VMEM((G, KK * CHUNK), jnp.int32),
            pltpu.VMEM((G, KK * CHUNK), jnp.int32),
            pltpu.VMEM((KK * CHUNK, 16), jnp.float32),
            pltpu.VMEM_SHARED((NP, 16), jnp.float32),
            pltpu.VMEM_SHARED((NP, 16), jnp.float32),
            pltpu.SemaphoreType.DMA,
        ],
        compiler_params=_sc_params(),
    )
    def degree_kernel(src_hbm, dst_hbm, ones_hbm, zeros_hbm, osrc_hbm, odst_hbm,
                      src_v, dst_v, ones_v, acc_s, acc_d, sem):
        c = lax.axis_index("c")
        s = lax.axis_index("s")
        wid = s * NC + c
        base = s * ROWS_PW
        pltpu.sync_copy(zeros_hbm, acc_s.at[pl.ds(base, ROWS_PW)])
        pltpu.sync_copy(zeros_hbm, acc_d.at[pl.ds(base, ROWS_PW)])
        pltpu.sync_copy(ones_hbm, ones_v)
        pltpu.sync_copy(src_hbm.at[wid], src_v)
        pltpu.sync_copy(dst_hbm.at[wid], dst_v)
        plsc.subcore_barrier()

        @pl.loop(0, G, step=2)
        def _(j):
            pltpu.async_copy(ones_v, acc_s.at[src_v.at[j]], sem, add=True)
            pltpu.async_copy(ones_v, acc_d.at[dst_v.at[j]], sem, add=True)
            pltpu.async_copy(ones_v, acc_s.at[src_v.at[j + 1]], sem, add=True)
            pltpu.async_copy(ones_v, acc_d.at[dst_v.at[j + 1]], sem, add=True)
            pltpu.make_async_copy(ones_v, acc_s.at[src_v.at[j]], sem).wait()
            pltpu.make_async_copy(ones_v, acc_d.at[dst_v.at[j]], sem).wait()
            pltpu.make_async_copy(ones_v, acc_s.at[src_v.at[j + 1]], sem).wait()
            pltpu.make_async_copy(ones_v, acc_d.at[dst_v.at[j + 1]], sem).wait()

        plsc.subcore_barrier()
        pltpu.sync_copy(acc_s.at[pl.ds(base, ROWS_PW)],
                        osrc_hbm.at[pl.ds(c * NP + base, ROWS_PW)])
        pltpu.sync_copy(acc_d.at[pl.ds(base, ROWS_PW)],
                        odst_hbm.at[pl.ds(c * NP + base, ROWS_PW)])

    return degree_kernel


def _make_propagate_kernel():
    @functools.partial(
        pl.kernel,
        out_type=jax.ShapeDtypeStruct((NC * NP, D_OUT), jnp.float32),
        mesh=_mesh(),
        scratch_types=[
            pltpu.VMEM((G, KK * CHUNK), jnp.int32),
            pltpu.VMEM((G, KK * CHUNK), jnp.int32),
            pltpu.VMEM((NSB, KK * CHUNK, D_OUT), jnp.float32),
            pltpu.VMEM_SHARED((NP, D_OUT), jnp.float32),
        ] + [pltpu.SemaphoreType.DMA] * (2 * NSB),
        compiler_params=_sc_params(),
    )
    def propagate_kernel(y_hbm, src_hbm, dst_hbm, zeros_hbm, out_hbm,
                         src_v, dst_v, rows, acc, *sems):
        gsem = sems[:NSB]
        ssem = sems[NSB:]
        c = lax.axis_index("c")
        s = lax.axis_index("s")
        wid = s * NC + c
        base = s * ROWS_PW
        pltpu.sync_copy(zeros_hbm, acc.at[pl.ds(base, ROWS_PW)])
        pltpu.sync_copy(src_hbm.at[wid], src_v)
        pltpu.sync_copy(dst_hbm.at[wid], dst_v)
        plsc.subcore_barrier()

        for b in range(NSB):
            pltpu.async_copy(y_hbm.at[src_v.at[b]], rows.at[b], gsem[b])

        @pl.loop(0, G, step=NSB)
        def _(j):
            for b in range(NSB):
                pltpu.make_async_copy(y_hbm.at[src_v.at[j + b]],
                                      rows.at[b], gsem[b]).wait()
                pltpu.async_copy(rows.at[b], acc.at[dst_v.at[j + b]],
                                 ssem[b], add=True)
            for b in range(NSB):
                pltpu.make_async_copy(rows.at[b], acc.at[dst_v.at[j + b]],
                                      ssem[b]).wait()

                @pl.when(j + NSB + b < G)
                def _():
                    pltpu.async_copy(y_hbm.at[src_v.at[j + NSB + b]],
                                     rows.at[b], gsem[b])

        plsc.subcore_barrier()
        pltpu.sync_copy(acc.at[pl.ds(base, ROWS_PW)],
                        out_hbm.at[pl.ds(c * NP + base, ROWS_PW)])

    return propagate_kernel


def _dot(a, b):
    return lax.dot_general(a, b, (((1,), (0,)), ((), ())),
                           precision=lax.Precision.HIGHEST,
                           preferred_element_type=jnp.float32)


def _mlp_body(x_ref, w0_ref, b0_ref, w1_ref, b1_ref, w2_ref, b2_ref,
              dsa_ref, dsb_ref, dda_ref, ddb_ref,
              h0_ref, y0_ref, wb_ref, fw_ref):
    h = jnp.maximum(_dot(x_ref[...], w0_ref[...]) + b0_ref[0:1, :], 0.0)
    h = jnp.maximum(_dot(h, w1_ref[...]) + b1_ref[0:1, :], 0.0)
    h = _dot(h, w2_ref[...]) + b2_ref[0:1, :]
    out_deg = dsa_ref[:, 0:1] + dsb_ref[:, 0:1]
    in_deg = dda_ref[:, 0:1] + ddb_ref[:, 0:1]
    ns = lax.rsqrt(jnp.maximum(out_deg, 1.0))
    nd = lax.rsqrt(jnp.maximum(in_deg, 1.0))
    h0_ref[...] = h
    y0_ref[...] = h * ns
    wb_ref[...] = jnp.broadcast_to((1.0 - ALPHA) * ns * nd, h.shape)
    fw_ref[...] = jnp.broadcast_to((1.0 - ALPHA) * nd, h.shape)


def _mlp(xp, W0, b0r, W1, b1r, W2, b2r, dsa, dsb, dda, ddb):
    grid = NP // _BLK
    f32 = jnp.float32
    row_spec = lambda w: pl.BlockSpec((_BLK, w), lambda i: (i, 0))
    full_spec = lambda a, b: pl.BlockSpec((a, b), lambda i: (0, 0))
    return pl.pallas_call(
        _mlp_body,
        grid=(grid,),
        in_specs=[
            row_spec(D_IN),
            full_spec(D_IN, D_HID), full_spec(8, D_HID),
            full_spec(D_HID, D_HID), full_spec(8, D_HID),
            full_spec(D_HID, D_OUT), full_spec(8, D_OUT),
            row_spec(16), row_spec(16), row_spec(16), row_spec(16),
        ],
        out_specs=[row_spec(D_OUT)] * 4,
        out_shape=[jax.ShapeDtypeStruct((NP, D_OUT), f32)] * 4,
    )(xp, W0, b0r, W1, b1r, W2, b2r, dsa, dsb, dda, ddb)


def _blend_body(a0_ref, a1_ref, p_ref, q_ref, o_ref):
    o_ref[...] = (p_ref[...] * (a0_ref[...] + a1_ref[...])
                  + ALPHA * q_ref[...])


def _blend(a0, a1, p, q):
    grid = NP // _BLK
    spec = pl.BlockSpec((_BLK, D_OUT), lambda i: (i, 0))
    return pl.pallas_call(
        _blend_body,
        grid=(grid,),
        in_specs=[spec] * 4,
        out_specs=spec,
        out_shape=jax.ShapeDtypeStruct((NP, D_OUT), jnp.float32),
    )(a0, a1, p, q)


def kernel(features, edge_index, W0, b0, W1, b1, W2, b2):
    f32 = jnp.float32
    src = edge_index[0].astype(jnp.int32)
    dst = edge_index[1].astype(jnp.int32)
    pad = N + jnp.arange(EP - E, dtype=jnp.int32) % (NP - N)
    src_p = jnp.concatenate([src, pad]).reshape(NW, G, KK * CHUNK)
    dst_p = jnp.concatenate([dst, pad]).reshape(NW, G, KK * CHUNK)

    ones16 = jnp.ones((KK * CHUNK, 16), f32)
    zeros16 = jnp.zeros((ROWS_PW, 16), f32)
    zeros64 = jnp.zeros((ROWS_PW, D_OUT), f32)

    degree = _make_degree_kernel()
    propagate = _make_propagate_kernel()

    deg_s, deg_d = degree(src_p, dst_p, ones16, zeros16)

    xp = jnp.concatenate([features, jnp.zeros((NP - N, D_IN), f32)])
    b0r = jnp.broadcast_to(b0[None, :], (8, D_HID))
    b1r = jnp.broadcast_to(b1[None, :], (8, D_HID))
    b2r = jnp.broadcast_to(b2[None, :], (8, D_OUT))
    h0, y0, wb, fw = _mlp(xp, W0, b0r, W1, b1r, W2, b2r,
                          deg_s[:NP], deg_s[NP:], deg_d[:NP], deg_d[NP:])

    def round_body(carry, _):
        y, _prev = carry
        agg = propagate(y, src_p, dst_p, zeros64)
        return (_blend(agg[:NP], agg[NP:], wb, y0), agg), None

    agg0 = jnp.zeros((NC * NP, D_OUT), f32)
    (_, agg), _ = lax.scan(round_body, (y0, agg0), None, length=K)
    h = _blend(agg[:NP], agg[NP:], fw, h0)
    return h[:N]

# --- scband reference (transcript-rebuilt; emitter-appended) ---
"""Pipeline reference for scband-appnp-5995774345334 (READ-ONLY COPY).

The authoritative reference and input builder live on the scoring server;
editing this copy changes nothing except your own understanding.
"""

import jax, jax.numpy as jnp
import numpy as np

N = 10000
E = 320000
D_IN = 128
D_HID = 128
N_CLASSES = 64
ALPHA = 0.1
K = 10


def setup_inputs(seed: int = 0) -> dict:
    key = jax.random.key(seed)
    ks = jax.random.split(key, 8)
    features = jax.random.normal(ks[0], (N, D_IN), dtype=jnp.float32)
    edge_index = jax.random.randint(ks[1], (2, E), 0, N)
    W0 = jax.random.normal(ks[2], (D_IN, D_HID), dtype=jnp.float32) * (1.0 / np.sqrt(D_IN))
    b0 = jnp.zeros((D_HID,), dtype=jnp.float32)
    W1 = jax.random.normal(ks[3], (D_HID, D_HID), dtype=jnp.float32) * (1.0 / np.sqrt(D_HID))
    b1 = jnp.zeros((D_HID,), dtype=jnp.float32)
    W2 = jax.random.normal(ks[4], (D_HID, N_CLASSES), dtype=jnp.float32) * (1.0 / np.sqrt(D_HID))
    b2 = jnp.zeros((N_CLASSES,), dtype=jnp.float32)
    return {"features": features, "edge_index": edge_index,
            "W0": W0, "b0": b0, "W1": W1, "b1": b1, "W2": W2, "b2": b2}


def reference(features, edge_index, W0, b0, W1, b1, W2, b2):
    # MLP (dropout prob = 0.0 -> identity)
    h = jnp.maximum(features @ W0 + b0, 0.0)   # layers[0] + activation
    h = jnp.maximum(h @ W1 + b1, 0.0)          # layers[1:-1] + activation
    h = h @ W2 + b2                             # layers[-1], no activation

    src = edge_index[0]
    dst = edge_index[1]
    out_deg = jnp.clip(jnp.bincount(src, length=N), 1, None).astype(h.dtype)
    in_deg = jnp.clip(jnp.bincount(dst, length=N), 1, None).astype(h.dtype)
    norm_src = jnp.power(out_deg, -0.5)[:, None]
    norm_dst = jnp.power(in_deg, -0.5)[:, None]

    h0 = h
    for _ in range(K):
        m = h * norm_src                        # D^{-1/2} on source side
        agg = jnp.zeros_like(h).at[dst].add(m[src])  # copy_u + sum
        agg = agg * norm_dst                    # D^{-1/2} on dest side
        h = (1.0 - ALPHA) * agg + ALPHA * h0    # personalized PageRank step
    return h

if __name__ == "__main__":
    import jax
    _d = setup_inputs()
    print(jax.jit(kernel)(*tuple(_d.values())))

</pallas_src>

<mosaic_0001>
#map = affine_map<(d0, d1) -> (0, 0, 0)>
#map1 = affine_map<(d0, d1) -> (0, 0)>
module attributes {stable_mosaic.version = 14 : i64} {
  func.func @degree_kernel(%arg0: i32, %arg1: i32, %arg2: memref<32x80x128xi32, #tpu.memory_space<hbm>>, %arg3: memref<32x80x128xi32, #tpu.memory_space<hbm>>, %arg4: memref<128x16xf32, #tpu.memory_space<hbm>>, %arg5: memref<640x16xf32, #tpu.memory_space<hbm>>, %arg6: memref<20480x16xf32, #tpu.memory_space<hbm>>, %arg7: memref<20480x16xf32, #tpu.memory_space<hbm>>, %arg8: memref<80x128xi32, #tpu.memory_space<vmem>>, %arg9: memref<80x128xi32, #tpu.memory_space<vmem>>, %arg10: memref<128x16xf32, #tpu.memory_space<vmem>>, %arg11: memref<10240x16xf32, #tpu.memory_space<vmem_shared>>, %arg12: memref<10240x16xf32, #tpu.memory_space<vmem_shared>>, %arg13: memref<!tpu.dma_semaphore, #tpu.memory_space<semaphore_mem>>) attributes {dimension_semantics = [#tpu.dimension_semantics<core_parallel>, #tpu.dimension_semantics<subcore_parallel>], iteration_bounds = array<i64: 2, 16>, scalar_prefetch = 0 : i64, scratch_operands = 6 : i64, tpu.core_type = #tpu.core_type<sc_vector_subcore>, window_params = [{transform_indices = #map}, {transform_indices = #map}, {transform_indices = #map1}, {transform_indices = #map1}, {transform_indices = #map1}, {transform_indices = #map1}]} {
    %mul3A = arith.constant 2 : i32
    %mul3A_0 = arith.muli %arg1, %mul3A : i32
    %add3A = arith.addi %mul3A_0, %arg0 : i32
    %mul3A_1 = arith.constant 640 : i32
    %mul3A_2 = arith.muli %arg1, %mul3A_1 : i32
    "tpu.region"() ({
      %run_scoped3A = tpu.sem_alloc : memref<!tpu.dma_semaphore, #tpu.memory_space<semaphore_mem>>
      %dma_start3A = arith.constant 0 : i32
      %dma_start3A_14 = tpu.memref_slice %arg11[%mul3A_2, %dma_start3A] : memref<10240x16xf32, #tpu.memory_space<vmem_shared>> -> memref<640x16xf32, #tpu.memory_space<vmem_shared>>
      tpu.enqueue_dma source(%arg5 : memref<640x16xf32, #tpu.memory_space<hbm>>) target(%dma_start3A_14 : memref<640x16xf32, #tpu.memory_space<vmem_shared>>) target_semaphore(%run_scoped3A : memref<!tpu.dma_semaphore, #tpu.memory_space<semaphore_mem>>)
      %dma_wait3A = arith.constant 0 : i32
      %dma_wait3A_15 = tpu.memref_slice %arg11[%mul3A_2, %dma_wait3A] : memref<10240x16xf32, #tpu.memory_space<vmem_shared>> -> memref<640x16xf32, #tpu.memory_space<vmem_shared>>
      tpu.wait_dma2 semaphore(%run_scoped3A : memref<!tpu.dma_semaphore, #tpu.memory_space<semaphore_mem>>) src(%arg5 : memref<640x16xf32, #tpu.memory_space<hbm>>) dst(%dma_wait3A_15 : memref<640x16xf32, #tpu.memory_space<vmem_shared>>)
      tpu.yield
    }) : () -> ()
    "tpu.region"() ({
      %run_scoped3A = tpu.sem_alloc : memref<!tpu.dma_semaphore, #tpu.memory_space<semaphore_mem>>
      %dma_start3A = arith.constant 0 : i32
      %dma_start3A_14 = tpu.memref_slice %arg12[%mul3A_2, %dma_start3A] : memref<10240x16xf32, #tpu.memory_space<vmem_shared>> -> memref<640x16xf32, #tpu.memory_space<vmem_shared>>
      tpu.enqueue_dma source(%arg5 : memref<640x16xf32, #tpu.memory_space<hbm>>) target(%dma_start3A_14 : memref<640x16xf32, #tpu.memory_space<vmem_shared>>) target_semaphore(%run_scoped3A : memref<!tpu.dma_semaphore, #tpu.memory_space<semaphore_mem>>)
      %dma_wait3A = arith.constant 0 : i32
      %dma_wait3A_15 = tpu.memref_slice %arg12[%mul3A_2, %dma_wait3A] : memref<10240x16xf32, #tpu.memory_space<vmem_shared>> -> memref<640x16xf32, #tpu.memory_space<vmem_shared>>
      tpu.wait_dma2 semaphore(%run_scoped3A : memref<!tpu.dma_semaphore, #tpu.memory_space<semaphore_mem>>) src(%arg5 : memref<640x16xf32, #tpu.memory_space<hbm>>) dst(%dma_wait3A_15 : memref<640x16xf32, #tpu.memory_space<vmem_shared>>)
      tpu.yield
    }) : () -> ()
    "tpu.region"() ({
      %run_scoped3A = tpu.sem_alloc : memref<!tpu.dma_semaphore, #tpu.memory_space<semaphore_mem>>
      tpu.enqueue_dma source(%arg4 : memref<128x16xf32, #tpu.memory_space<hbm>>) target(%arg10 : memref<128x16xf32, #tpu.memory_space<vmem>>) target_semaphore(%run_scoped3A : memref<!tpu.dma_semaphore, #tpu.memory_space<semaphore_mem>>)
      tpu.wait_dma2 semaphore(%run_scoped3A : memref<!tpu.dma_semaphore, #tpu.memory_space<semaphore_mem>>) src(%arg4 : memref<128x16xf32, #tpu.memory_space<hbm>>) dst(%arg10 : memref<128x16xf32, #tpu.memory_space<vmem>>)
      tpu.yield
    }) : () -> ()
    "tpu.region"() ({
      %run_scoped3A = tpu.sem_alloc : memref<!tpu.dma_semaphore, #tpu.memory_space<semaphore_mem>>
      %dma_start3A = arith.constant 0 : i32
      %dma_start3A_14 = arith.constant 0 : i32
      %dma_start3A_15 = tpu.memref_slice %arg2[%add3A, %dma_start3A, %dma_start3A_14] : memref<32x80x128xi32, #tpu.memory_space<hbm>> -> memref<1x80x128xi32, #tpu.memory_space<hbm>>
      %dma_start3A_16 = tpu.memref_squeeze %dma_start3A_15 : memref<1x80x128xi32, #tpu.memory_space<hbm>> -> memref<80x128xi32, #tpu.memory_space<hbm>>
      %dma_start3A_17 = arith.constant 0 : i32
      %dma_start3A_18 = arith.constant 0 : i32
      %dma_start3A_19 = tpu.memref_slice %arg2[%add3A, %dma_start3A_17, %dma_start3A_18] : memref<32x80x128xi32, #tpu.memory_space<hbm>> -> memref<1x80x128xi32, #tpu.memory_space<hbm>>
      %dma_start3A_20 = tpu.memref_squeeze %dma_start3A_19 : memref<1x80x128xi32, #tpu.memory_space<hbm>> -> memref<80x128xi32, #tpu.memory_space<hbm>>
      tpu.enqueue_dma source(%dma_start3A_20 : memref<80x128xi32, #tpu.memory_space<hbm>>) target(%arg8 : memref<80x128xi32, #tpu.memory_space<vmem>>) target_semaphore(%run_scoped3A : memref<!tpu.dma_semaphore, #tpu.memory_space<semaphore_mem>>)
      %dma_wait3A = arith.constant 0 : i32
      %dma_wait3A_21 = arith.constant 0 : i32
      %dma_wait3A_22 = tpu.memref_slice %arg2[%add3A, %dma_wait3A, %dma_wait3A_21] : memref<32x80x128xi32, #tpu.memory_space<hbm>> -> memref<1x80x128xi32, #tpu.memory_space<hbm>>
      %dma_wait3A_23 = tpu.memref_squeeze %dma_wait3A_22 : memref<1x80x128xi32, #tpu.memory_space<hbm>> -> memref<80x128xi32, #tpu.memory_space<hbm>>
      %dma_wait3A_24 = arith.constant 0 : i32
      %dma_wait3A_25 = arith.constant 0 : i32
      %dma_wait3A_26 = tpu.memref_slice %arg2[%add3A, %dma_wait3A_24, %dma_wait3A_25] : memref<32x80x128xi32, #tpu.memory_space<hbm>> -> memref<1x80x128xi32, #tpu.memory_space<hbm>>
      %dma_wait3A_27 = tpu.memref_squeeze %dma_wait3A_26 : memref<1x80x128xi32, #tpu.memory_space<hbm>> -> memref<80x128xi32, #tpu.memory_space<hbm>>
      tpu.wait_dma2 semaphore(%run_scoped3A : memref<!tpu.dma_semaphore, #tpu.memory_space<semaphore_mem>>) src(%dma_wait3A_27 : memref<80x128xi32, #tpu.memory_space<hbm>>) dst(%arg8 : memref<80x128xi32, #tpu.memory_space<vmem>>)
      tpu.yield
    }) : () -> ()
    "tpu.region"() ({
      %run_scoped3A = tpu.sem_alloc : memref<!tpu.dma_semaphore, #tpu.memory_space<semaphore_mem>>
      %dma_start3A = arith.constant 0 : i32
      %dma_start3A_14 = arith.constant 0 : i32
      %dma_start3A_15 = tpu.memref_slice %arg3[%add3A, %dma_start3A, %dma_start3A_14] : memref<32x80x128xi32, #tpu.memory_space<hbm>> -> memref<1x80x128xi32, #tpu.memory_space<hbm>>
      %dma_start3A_16 = tpu.memref_squeeze %dma_start3A_15 : memref<1x80x128xi32, #tpu.memory_space<hbm>> -> memref<80x128xi32, #tpu.memory_space<hbm>>
      %dma_start3A_17 = arith.constant 0 : i32
      %dma_start3A_18 = arith.constant 0 : i32
      %dma_start3A_19 = tpu.memref_slice %arg3[%add3A, %dma_start3A_17, %dma_start3A_18] : memref<32x80x128xi32, #tpu.memory_space<hbm>> -> memref<1x80x128xi32, #tpu.memory_space<hbm>>
      %dma_start3A_20 = tpu.memref_squeeze %dma_start3A_19 : memref<1x80x128xi32, #tpu.memory_space<hbm>> -> memref<80x128xi32, #tpu.memory_space<hbm>>
      tpu.enqueue_dma source(%dma_start3A_20 : memref<80x128xi32, #tpu.memory_space<hbm>>) target(%arg9 : memref<80x128xi32, #tpu.memory_space<vmem>>) target_semaphore(%run_scoped3A : memref<!tpu.dma_semaphore, #tpu.memory_space<semaphore_mem>>)
      %dma_wait3A = arith.constant 0 : i32
      %dma_wait3A_21 = arith.constant 0 : i32
      %dma_wait3A_22 = tpu.memref_slice %arg3[%add3A, %dma_wait3A, %dma_wait3A_21] : memref<32x80x128xi32, #tpu.memory_space<hbm>> -> memref<1x80x128xi32, #tpu.memory_space<hbm>>
      %dma_wait3A_23 = tpu.memref_squeeze %dma_wait3A_22 : memref<1x80x128xi32, #tpu.memory_space<hbm>> -> memref<80x128xi32, #tpu.memory_space<hbm>>
      %dma_wait3A_24 = arith.constant 0 : i32
      %dma_wait3A_25 = arith.constant 0 : i32
      %dma_wait3A_26 = tpu.memref_slice %arg3[%add3A, %dma_wait3A_24, %dma_wait3A_25] : memref<32x80x128xi32, #tpu.memory_space<hbm>> -> memref<1x80x128xi32, #tpu.memory_space<hbm>>
      %dma_wait3A_27 = tpu.memref_squeeze %dma_wait3A_26 : memref<1x80x128xi32, #tpu.memory_space<hbm>> -> memref<80x128xi32, #tpu.memory_space<hbm>>
      tpu.wait_dma2 semaphore(%run_scoped3A : memref<!tpu.dma_semaphore, #tpu.memory_space<semaphore_mem>>) src(%dma_wait3A_27 : memref<80x128xi32, #tpu.memory_space<hbm>>) dst(%arg9 : memref<80x128xi32, #tpu.memory_space<vmem>>)
      tpu.yield
    }) : () -> ()
    %barrier3A = arith.constant 0 : index
    tpu.barrier barrier_id(%barrier3A)
    %scan3A = arith.constant 0 : i32
    %scan3A_3 = arith.constant 40 : i32
    %scan3A_4 = arith.addi %scan3A, %scan3A_3 : i32
    %scan3A_5 = arith.constant 1 : i32
    scf.for %scan3A_14 = %scan3A to %scan3A_4 step %scan3A_5  : i32 {
      %mul3A_15 = arith.constant 2 : i32
      %mul3A_16 = arith.muli %scan3A_14, %mul3A_15 : i32
      %add3A_17 = arith.constant 0 : i32
      %add3A_18 = arith.addi %add3A_17, %mul3A_16 : i32
      %dma_start3A = arith.constant 0 : i32
      %dma_start3A_19 = tpu.memref_slice %arg8[%add3A_18, %dma_start3A] : memref<80x128xi32, #tpu.memory_space<vmem>> -> memref<1x128xi32, #tpu.memory_space<vmem>>
      %dma_start3A_20 = tpu.memref_squeeze %dma_start3A_19 : memref<1x128xi32, #tpu.memory_space<vmem>> -> memref<128xi32, #tpu.memory_space<vmem>>
      %dma_start3A_21 = arith.constant 0 : i32
      %dma_start3A_22 = arith.constant 0 : i32
      %dma_start3A_23 = tpu.memref_slice %arg11[%dma_start3A_21, %dma_start3A_22] : memref<10240x16xf32, #tpu.memory_space<vmem_shared>> -> memref<10240x16xf32, #tpu.memory_space<vmem_shared>>
      tpu.enqueue_indirect_dma source(%arg10 : memref<128x16xf32, #tpu.memory_space<vmem>>) target(%dma_start3A_23 : memref<10240x16xf32, #tpu.memory_space<vmem_shared>>) offsets(%dma_start3A_20 : memref<128xi32, #tpu.memory_space<vmem>>) semaphore(%arg13 : memref<!tpu.dma_semaphore, #tpu.memory_space<semaphore_mem>>) {add = true}
      %dma_start3A_24 = arith.constant 0 : i32
      %dma_start3A_25 = tpu.memref_slice %arg9[%add3A_18, %dma_start3A_24] : memref<80x128xi32, #tpu.memory_space<vmem>> -> memref<1x128xi32, #tpu.memory_space<vmem>>
      %dma_start3A_26 = tpu.memref_squeeze %dma_start3A_25 : memref<1x128xi32, #tpu.memory_space<vmem>> -> memref<128xi32, #tpu.memory_space<vmem>>
      %dma_start3A_27 = arith.constant 0 : i32
      %dma_start3A_28 = arith.constant 0 : i32
      %dma_start3A_29 = tpu.memref_slice %arg12[%dma_start3A_27, %dma_start3A_28] : memref<10240x16xf32, #tpu.memory_space<vmem_shared>> -> memref<10240x16xf32, #tpu.memory_space<vmem_shared>>
      tpu.enqueue_indirect_dma source(%arg10 : memref<128x16xf32, #tpu.memory_space<vmem>>) target(%dma_start3A_29 : memref<10240x16xf32, #tpu.memory_space<vmem_shared>>) offsets(%dma_start3A_26 : memref<128xi32, #tpu.memory_space<vmem>>) semaphore(%arg13 : memref<!tpu.dma_semaphore, #tpu.memory_space<semaphore_mem>>) {add = true}
      %add3A_30 = arith.constant 1 : i32
      %add3A_31 = arith.addi %add3A_18, %add3A_30 : i32
      %dma_start3A_32 = arith.constant 0 : i32
      %dma_start3A_33 = tpu.memref_slice %arg8[%add3A_31, %dma_start3A_32] : memref<80x128xi32, #tpu.memory_space<vmem>> -> memref<1x128xi32, #tpu.memory_space<vmem>>
      %dma_start3A_34 = tpu.memref_squeeze %dma_start3A_33 : memref<1x128xi32, #tpu.memory_space<vmem>> -> memref<128xi32, #tpu.memory_space<vmem>>
      %dma_start3A_35 = arith.constant 0 : i32
      %dma_start3A_36 = arith.constant 0 : i32
      %dma_start3A_37 = tpu.memref_slice %arg11[%dma_start3A_35, %dma_start3A_36] : memref<10240x16xf32, #tpu.memory_space<vmem_shared>> -> memref<10240x16xf32, #tpu.memory_space<vmem_shared>>
      tpu.enqueue_indirect_dma source(%arg10 : memref<128x16xf32, #tpu.memory_space<vmem>>) target(%dma_start3A_37 : memref<10240x16xf32, #tpu.memory_space<vmem_shared>>) offsets(%dma_start3A_34 : memref<128xi32, #tpu.memory_space<vmem>>) semaphore(%arg13 : memref<!tpu.dma_semaphore, #tpu.memory_space<semaphore_mem>>) {add = true}
      %add3A_38 = arith.constant 1 : i32
      %add3A_39 = arith.addi %add3A_18, %add3A_38 : i32
      %dma_start3A_40 = arith.constant 0 : i32
      %dma_start3A_41 = tpu.memref_slice %arg9[%add3A_39, %dma_start3A_40] : memref<80x128xi32, #tpu.memory_space<vmem>> -> memref<1x128xi32, #tpu.memory_space<vmem>>
      %dma_start3A_42 = tpu.memref_squeeze %dma_start3A_41 : memref<1x128xi32, #tpu.memory_space<vmem>> -> memref<128xi32, #tpu.memory_space<vmem>>
      %dma_start3A_43 = arith.constant 0 : i32
      %dma_start3A_44 = arith.constant 0 : i32
      %dma_start3A_45 = tpu.memref_slice %arg12[%dma_start3A_43, %dma_start3A_44] : memref<10240x16xf32, #tpu.memory_space<vmem_shared>> -> memref<10240x16xf32, #tpu.memory_space<vmem_shared>>
      tpu.enqueue_indirect_dma source(%arg10 : memref<128x16xf32, #tpu.memory_space<vmem>>) target(%dma_start3A_45 : memref<10240x16xf32, #tpu.memory_space<vmem_shared>>) offsets(%dma_start3A_42 : memref<128xi32, #tpu.memory_space<vmem>>) semaphore(%arg13 : memref<!tpu.dma_semaphore, #tpu.memory_space<semaphore_mem>>) {add = true}
      %dma_wait3A = arith.constant 0 : i32
      %dma_wait3A_46 = tpu.memref_slice %arg8[%add3A_18, %dma_wait3A] : memref<80x128xi32, #tpu.memory_space<vmem>> -> memref<1x128xi32, #tpu.memory_space<vmem>>
      %dma_wait3A_47 = tpu.memref_squeeze %dma_wait3A_46 : memref<1x128xi32, #tpu.memory_space<vmem>> -> memref<128xi32, #tpu.memory_space<vmem>>
      %dma_wait3A_48 = arith.constant 0 : i32
      %dma_wait3A_49 = arith.constant 0 : i32
      %dma_wait3A_50 = tpu.memref_slice %arg11[%dma_wait3A_48, %dma_wait3A_49] : memref<10240x16xf32, #tpu.memory_space<vmem_shared>> -> memref<10240x16xf32, #tpu.memory_space<vmem_shared>>
      tpu.wait_indirect_dma semaphore(%arg13 : memref<!tpu.dma_semaphore, #tpu.memory_space<semaphore_mem>>) src(%arg10 : memref<128x16xf32, #tpu.memory_space<vmem>>) dst(%dma_wait3A_50 : memref<10240x16xf32, #tpu.memory_space<vmem_shared>>)
      %dma_wait3A_51 = arith.constant 0 : i32
      %dma_wait3A_52 = tpu.memref_slice %arg9[%add3A_18, %dma_wait3A_51] : memref<80x128xi32, #tpu.memory_space<vmem>> -> memref<1x128xi32, #tpu.memory_space<vmem>>
      %dma_wait3A_53 = tpu.memref_squeeze %dma_wait3A_52 : memref<1x128xi32, #tpu.memory_space<vmem>> -> memref<128xi32, #tpu.memory_space<vmem>>
      %dma_wait3A_54 = arith.constant 0 : i32
      %dma_wait3A_55 = arith.constant 0 : i32
      %dma_wait3A_56 = tpu.memref_slice %arg12[%dma_wait3A_54, %dma_wait3A_55] : memref<10240x16xf32, #tpu.memory_space<vmem_shared>> -> memref<10240x16xf32, #tpu.memory_space<vmem_shared>>
      tpu.wait_indirect_dma semaphore(%arg13 : memref<!tpu.dma_semaphore, #tpu.memory_space<semaphore_mem>>) src(%arg10 : memref<128x16xf32, #tpu.memory_space<vmem>>) dst(%dma_wait3A_56 : memref<10240x16xf32, #tpu.memory_space<vmem_shared>>)
      %add3A_57 = arith.constant 1 : i32
      %add3A_58 = arith.addi %add3A_18, %add3A_57 : i32
      %dma_wait3A_59 = arith.constant 0 : i32
      %dma_wait3A_60 = tpu.memref_slice %arg8[%add3A_58, %dma_wait3A_59] : memref<80x128xi32, #tpu.memory_space<vmem>> -> memref<1x128xi32, #tpu.memory_space<vmem>>
      %dma_wait3A_61 = tpu.memref_squeeze %dma_wait3A_60 : memref<1x128xi32, #tpu.memory_space<vmem>> -> memref<128xi32, #tpu.memory_space<vmem>>
      %dma_wait3A_62 = arith.constant 0 : i32
      %dma_wait3A_63 = arith.constant 0 : i32
      %dma_wait3A_64 = tpu.memref_slice %arg11[%dma_wait3A_62, %dma_wait3A_63] : memref<10240x16xf32, #tpu.memory_space<vmem_shared>> -> memref<10240x16xf32, #tpu.memory_space<vmem_shared>>
      tpu.wait_indirect_dma semaphore(%arg13 : memref<!tpu.dma_semaphore, #tpu.memory_space<semaphore_mem>>) src(%arg10 : memref<128x16xf32, #tpu.memory_space<vmem>>) dst(%dma_wait3A_64 : memref<10240x16xf32, #tpu.memory_space<vmem_shared>>)
      %add3A_65 = arith.constant 1 : i32
      %add3A_66 = arith.addi %add3A_18, %add3A_65 : i32
      %dma_wait3A_67 = arith.constant 0 : i32
      %dma_wait3A_68 = tpu.memref_slice %arg9[%add3A_66, %dma_wait3A_67] : memref<80x128xi32, #tpu.memory_space<vmem>> -> memref<1x128xi32, #tpu.memory_space<vmem>>
      %dma_wait3A_69 = tpu.memref_squeeze %dma_wait3A_68 : memref<1x128xi32, #tpu.memory_space<vmem>> -> memref<128xi32, #tpu.memory_space<vmem>>
      %dma_wait3A_70 = arith.constant 0 : i32
      %dma_wait3A_71 = arith.constant 0 : i32
      %dma_wait3A_72 = tpu.memref_slice %arg12[%dma_wait3A_70, %dma_wait3A_71] : memref<10240x16xf32, #tpu.memory_space<vmem_shared>> -> memref<10240x16xf32, #tpu.memory_space<vmem_shared>>
      tpu.wait_indirect_dma semaphore(%arg13 : memref<!tpu.dma_semaphore, #tpu.memory_space<semaphore_mem>>) src(%arg10 : memref<128x16xf32, #tpu.memory_space<vmem>>) dst(%dma_wait3A_72 : memref<10240x16xf32, #tpu.memory_space<vmem_shared>>)
    }
    %scan3A_6 = arith.constant 40 : i32
    %barrier3A_7 = arith.constant 0 : index
    tpu.barrier barrier_id(%barrier3A_7)
    %mul3A_8 = arith.constant 10240 : i32
    %mul3A_9 = arith.muli %arg0, %mul3A_8 : i32
    %add3A_10 = arith.addi %mul3A_9, %mul3A_2 : i32
    "tpu.region"() ({
      %run_scoped3A = tpu.sem_alloc : memref<!tpu.dma_semaphore, #tpu.memory_space<semaphore_mem>>
      %dma_start3A = arith.constant 0 : i32
      %dma_start3A_14 = tpu.memref_slice %arg6[%add3A_10, %dma_start3A] : memref<20480x16xf32, #tpu.memory_space<hbm>> -> memref<640x16xf32, #tpu.memory_space<hbm>>
      %dma_start3A_15 = arith.constant 0 : i32
      %dma_start3A_16 = tpu.memref_slice %arg11[%mul3A_2, %dma_start3A_15] : memref<10240x16xf32, #tpu.memory_space<vmem_shared>> -> memref<640x16xf32, #tpu.memory_space<vmem_shared>>
      tpu.enqueue_dma source(%dma_start3A_16 : memref<640x16xf32, #tpu.memory_space<vmem_shared>>) target(%dma_start3A_14 : memref<640x16xf32, #tpu.memory_space<hbm>>) target_semaphore(%run_scoped3A : memref<!tpu.dma_semaphore, #tpu.memory_space<semaphore_mem>>)
      %dma_wait3A = arith.constant 0 : i32
      %dma_wait3A_17 = tpu.memref_slice %arg6[%add3A_10, %dma_wait3A] : memref<20480x16xf32, #tpu.memory_space<hbm>> -> memref<640x16xf32, #tpu.memory_space<hbm>>
      %dma_wait3A_18 = arith.constant 0 : i32
      %dma_wait3A_19 = tpu.memref_slice %arg11[%mul3A_2, %dma_wait3A_18] : memref<10240x16xf32, #tpu.memory_space<vmem_shared>> -> memref<640x16xf32, #tpu.memory_space<vmem_shared>>
      tpu.wait_dma2 semaphore(%run_scoped3A : memref<!tpu.dma_semaphore, #tpu.memory_space<semaphore_mem>>) src(%dma_wait3A_19 : memref<640x16xf32, #tpu.memory_space<vmem_shared>>) dst(%dma_wait3A_17 : memref<640x16xf32, #tpu.memory_space<hbm>>)
      tpu.yield
    }) : () -> ()
    %mul3A_11 = arith.constant 10240 : i32
    %mul3A_12 = arith.muli %arg0, %mul3A_11 : i32
    %add3A_13 = arith.addi %mul3A_12, %mul3A_2 : i32
    "tpu.region"() ({
      %run_scoped3A = tpu.sem_alloc : memref<!tpu.dma_semaphore, #tpu.memory_space<semaphore_mem>>
      %dma_start3A = arith.constant 0 : i32
      %dma_start3A_14 = tpu.memref_slice %arg7[%add3A_13, %dma_start3A] : memref<20480x16xf32, #tpu.memory_space<hbm>> -> memref<640x16xf32, #tpu.memory_space<hbm>>
      %dma_start3A_15 = arith.constant 0 : i32
      %dma_start3A_16 = tpu.memref_slice %arg12[%mul3A_2, %dma_start3A_15] : memref<10240x16xf32, #tpu.memory_space<vmem_shared>> -> memref<640x16xf32, #tpu.memory_space<vmem_shared>>
      tpu.enqueue_dma source(%dma_start3A_16 : memref<640x16xf32, #tpu.memory_space<vmem_shared>>) target(%dma_start3A_14 : memref<640x16xf32, #tpu.memory_space<hbm>>) target_semaphore(%run_scoped3A : memref<!tpu.dma_semaphore, #tpu.memory_space<semaphore_mem>>)
      %dma_wait3A = arith.constant 0 : i32
      %dma_wait3A_17 = tpu.memref_slice %arg7[%add3A_13, %dma_wait3A] : memref<20480x16xf32, #tpu.memory_space<hbm>> -> memref<640x16xf32, #tpu.memory_space<hbm>>
      %dma_wait3A_18 = arith.constant 0 : i32
      %dma_wait3A_19 = tpu.memref_slice %arg12[%mul3A_2, %dma_wait3A_18] : memref<10240x16xf32, #tpu.memory_space<vmem_shared>> -> memref<640x16xf32, #tpu.memory_space<vmem_shared>>
      tpu.wait_dma2 semaphore(%run_scoped3A : memref<!tpu.dma_semaphore, #tpu.memory_space<semaphore_mem>>) src(%dma_wait3A_19 : memref<640x16xf32, #tpu.memory_space<vmem_shared>>) dst(%dma_wait3A_17 : memref<640x16xf32, #tpu.memory_space<hbm>>)
      tpu.yield
    }) : () -> ()
    return
  }
}

#map = affine_map<(d0, d1) -> (0, 0)>
#map1 = affine_map<(d0, d1) -> (0, 0, 0)>
module attributes {stable_mosaic.version = 14 : i64} {
  func.func @propagate_kernel(%arg0: i32, %arg1: i32, %arg2: memref<10240x64xf32, #tpu.memory_space<hbm>>, %arg3: memref<32x80x128xi32, #tpu.memory_space<hbm>>, %arg4: memref<32x80x128xi32, #tpu.memory_space<hbm>>, %arg5: memref<640x64xf32, #tpu.memory_space<hbm>>, %arg6: memref<20480x64xf32, #tpu.memory_space<hbm>>, %arg7: memref<80x128xi32, #tpu.memory_space<vmem>>, %arg8: memref<80x128xi32, #tpu.memory_space<vmem>>, %arg9: memref<8x128x64xf32, #tpu.memory_space<vmem>>, %arg10: memref<10240x64xf32, #tpu.memory_space<vmem_shared>>, %arg11: memref<!tpu.dma_semaphore, #tpu.memory_space<semaphore_mem>>, %arg12: memref<!tpu.dma_semaphore, #tpu.memory_space<semaphore_mem>>, %arg13: memref<!tpu.dma_semaphore, #tpu.memory_space<semaphore_mem>>, %arg14: memref<!tpu.dma_semaphore, #tpu.memory_space<semaphore_mem>>, %arg15: memref<!tpu.dma_semaphore, #tpu.memory_space<semaphore_mem>>, %arg16: memref<!tpu.dma_semaphore, #tpu.memory_space<semaphore_mem>>, %arg17: memref<!tpu.dma_semaphore, #tpu.memory_space<semaphore_mem>>, %arg18: memref<!tpu.dma_semaphore, #tpu.memory_space<semaphore_mem>>, %arg19: memref<!tpu.dma_semaphore, #tpu.memory_space<semaphore_mem>>, %arg20: memref<!tpu.dma_semaphore, #tpu.memory_space<semaphore_mem>>, %arg21: memref<!tpu.dma_semaphore, #tpu.memory_space<semaphore_mem>>, %arg22: memref<!tpu.dma_semaphore, #tpu.memory_space<semaphore_mem>>, %arg23: memref<!tpu.dma_semaphore, #tpu.memory_space<semaphore_mem>>, %arg24: memref<!tpu.dma_semaphore, #tpu.memory_space<semaphore_mem>>, %arg25: memref<!tpu.dma_semaphore, #tpu.memory_space<semaphore_mem>>, %arg26: memref<!tpu.dma_semaphore, #tpu.memory_space<semaphore_mem>>) attributes {dimension_semantics = [#tpu.dimension_semantics<core_parallel>, #tpu.dimension_semantics<subcore_parallel>], iteration_bounds = array<i64: 2, 16>, scalar_prefetch = 0 : i64, scratch_operands = 20 : i64, tpu.core_type = #tpu.core_type<sc_vector_subcore>, window_params = [{transform_indices = #map}, {transform_indices = #map1}, {transform_indices = #map1}, {transform_indices = #map}, {transform_indices = #map}]} {
    %mul3A = arith.constant 2 : i32
    %mul3A_0 = arith.muli %arg1, %mul3A : i32
    %add3A = arith.addi %mul3A_0, %arg0 : i32
    %mul3A_1 = arith.constant 640 : i32
    %mul3A_2 = arith.muli %arg1, %mul3A_1 : i32
    "tpu.region"() ({
      %run_scoped3A = tpu.sem_alloc : memref<!tpu.dma_semaphore, #tpu.memory_space<semaphore_mem>>
      %dma_start3A_106 = arith.constant 0 : i32
      %dma_start3A_107 = tpu.memref_slice %arg10[%mul3A_2, %dma_start3A_106] : memref<10240x64xf32, #tpu.memory_space<vmem_shared>> -> memref<640x64xf32, #tpu.memory_space<vmem_shared>>
      tpu.enqueue_dma source(%arg5 : memref<640x64xf32, #tpu.memory_space<hbm>>) target(%dma_start3A_107 : memref<640x64xf32, #tpu.memory_space<vmem_shared>>) target_semaphore(%run_scoped3A : memref<!tpu.dma_semaphore, #tpu.memory_space<semaphore_mem>>)
      %dma_wait3A = arith.constant 0 : i32
      %dma_wait3A_108 = tpu.memref_slice %arg10[%mul3A_2, %dma_wait3A] : memref<10240x64xf32, #tpu.memory_space<vmem_shared>> -> memref<640x64xf32, #tpu.memory_space<vmem_shared>>
      tpu.wait_dma2 semaphore(%run_scoped3A : memref<!tpu.dma_semaphore, #tpu.memory_space<semaphore_mem>>) src(%arg5 : memref<640x64xf32, #tpu.memory_space<hbm>>) dst(%dma_wait3A_108 : memref<640x64xf32, #tpu.memory_space<vmem_shared>>)
      tpu.yield
    }) : () -> ()
    "tpu.region"() ({
      %run_scoped3A = tpu.sem_alloc : memref<!tpu.dma_semaphore, #tpu.memory_space<semaphore_mem>>
      %dma_start3A_106 = arith.constant 0 : i32
      %dma_start3A_107 = arith.constant 0 : i32
      %dma_start3A_108 = tpu.memref_slice %arg3[%add3A, %dma_start3A_106, %dma_start3A_107] : memref<32x80x128xi32, #tpu.memory_space<hbm>> -> memref<1x80x128xi32, #tpu.memory_space<hbm>>
      %dma_start3A_109 = tpu.memref_squeeze %dma_start3A_108 : memref<1x80x128xi32, #tpu.memory_space<hbm>> -> memref<80x128xi32, #tpu.memory_space<hbm>>
      %dma_start3A_110 = arith.constant 0 : i32
      %dma_start3A_111 = arith.constant 0 : i32
      %dma_start3A_112 = tpu.memref_slice %arg3[%add3A, %dma_start3A_110, %dma_start3A_111] : memref<32x80x128xi32, #tpu.memory_space<hbm>> -> memref<1x80x128xi32, #tpu.memory_space<hbm>>
      %dma_start3A_113 = tpu.memref_squeeze %dma_start3A_112 : memref<1x80x128xi32, #tpu.memory_space<hbm>> -> memref<80x128xi32, #tpu.memory_space<hbm>>
      tpu.enqueue_dma source(%dma_start3A_113 : memref<80x128xi32, #tpu.memory_space<hbm>>) target(%arg7 : memref<80x128xi32, #tpu.memory_space<vmem>>) target_semaphore(%run_scoped3A : memref<!tpu.dma_semaphore, #tpu.memory_space<semaphore_mem>>)
      %dma_wait3A = arith.constant 0 : i32
      %dma_wait3A_114 = arith.constant 0 : i32
      %dma_wait3A_115 = tpu.memref_slice %arg3[%add3A, %dma_wait3A, %dma_wait3A_114] : memref<32x80x128xi32, #tpu.memory_space<hbm>> -> memref<1x80x128xi32, #tpu.memory_space<hbm>>
      %dma_wait3A_116 = tpu.memref_squeeze %dma_wait3A_115 : memref<1x80x128xi32, #tpu.memory_space<hbm>> -> memref<80x128xi32, #tpu.memory_space<hbm>>
      %dma_wait3A_117 = arith.constant 0 : i32
      %dma_wait3A_118 = arith.constant 0 : i32
      %dma_wait3A_119 = tpu.memref_slice %arg3[%add3A, %dma_wait3A_117, %dma_wait3A_118] : memref<32x80x128xi32, #tpu.memory_space<hbm>> -> memref<1x80x128xi32, #tpu.memory_space<hbm>>
      %dma_wait3A_120 = tpu.memref_squeeze %dma_wait3A_119 : memref<1x80x128xi32, #tpu.memory_space<hbm>> -> memref<80x128xi32, #tpu.memory_space<hbm>>
      tpu.wait_dma2 semaphore(%run_scoped3A : memref<!tpu.dma_semaphore, #tpu.memory_space<semaphore_mem>>) src(%dma_wait3A_120 : memref<80x128xi32, #tpu.memory_space<hbm>>) dst(%arg7 : memref<80x128xi32, #tpu.memory_space<vmem>>)
      tpu.yield
    }) : () -> ()
    "tpu.region"() ({
      %run_scoped3A = tpu.sem_alloc : memref<!tpu.dma_semaphore, #tpu.memory_space<semaphore_mem>>
      %dma_start3A_106 = arith.constant 0 : i32
      %dma_start3A_107 = arith.constant 0 : i32
      %dma_start3A_108 = tpu.memref_slice %arg4[%add3A, %dma_start3A_106, %dma_start3A_107] : memref<32x80x128xi32, #tpu.memory_space<hbm>> -> memref<1x80x128xi32, #tpu.memory_space<hbm>>
      %dma_start3A_109 = tpu.memref_squeeze %dma_start3A_108 : memref<1x80x128xi32, #tpu.memory_space<hbm>> -> memref<80x128xi32, #tpu.memory_space<hbm>>
      %dma_start3A_110 = arith.constant 0 : i32
      %dma_start3A_111 = arith.constant 0 : i32
      %dma_start3A_112 = tpu.memref_slice %arg4[%add3A, %dma_start3A_110, %dma_start3A_111] : memref<32x80x128xi32, #tpu.memory_space<hbm>> -> memref<1x80x128xi32, #tpu.memory_space<hbm>>
      %dma_start3A_113 = tpu.memref_squeeze %dma_start3A_112 : memref<1x80x128xi32, #tpu.memory_space<hbm>> -> memref<80x128xi32, #tpu.memory_space<hbm>>
      tpu.enqueue_dma source(%dma_start3A_113 : memref<80x128xi32, #tpu.memory_space<hbm>>) target(%arg8 : memref<80x128xi32, #tpu.memory_space<vmem>>) target_semaphore(%run_scoped3A : memref<!tpu.dma_semaphore, #tpu.memory_space<semaphore_mem>>)
      %dma_wait3A = arith.constant 0 : i32
      %dma_wait3A_114 = arith.constant 0 : i32
      %dma_wait3A_115 = tpu.memref_slice %arg4[%add3A, %dma_wait3A, %dma_wait3A_114] : memref<32x80x128xi32, #tpu.memory_space<hbm>> -> memref<1x80x128xi32, #tpu.memory_space<hbm>>
      %dma_wait3A_116 = tpu.memref_squeeze %dma_wait3A_115 : memref<1x80x128xi32, #tpu.memory_space<hbm>> -> memref<80x128xi32, #tpu.memory_space<hbm>>
      %dma_wait3A_117 = arith.constant 0 : i32
      %dma_wait3A_118 = arith.constant 0 : i32
      %dma_wait3A_119 = tpu.memref_slice %arg4[%add3A, %dma_wait3A_117, %dma_wait3A_118] : memref<32x80x128xi32, #tpu.memory_space<hbm>> -> memref<1x80x128xi32, #tpu.memory_space<hbm>>
      %dma_wait3A_120 = tpu.memref_squeeze %dma_wait3A_119 : memref<1x80x128xi32, #tpu.memory_space<hbm>> -> memref<80x128xi32, #tpu.memory_space<hbm>>
      tpu.wait_dma2 semaphore(%run_scoped3A : memref<!tpu.dma_semaphore, #tpu.memory_space<semaphore_mem>>) src(%dma_wait3A_120 : memref<80x128xi32, #tpu.memory_space<hbm>>) dst(%arg8 : memref<80x128xi32, #tpu.memory_space<vmem>>)
      tpu.yield
    }) : () -> ()
    %barrier3A = arith.constant 0 : index
    tpu.barrier barrier_id(%barrier3A)
    %dma_start3A = arith.constant 0 : i32
    %dma_start3A_3 = arith.constant 0 : i32
    %dma_start3A_4 = arith.constant 0 : i32
    %dma_start3A_5 = arith.constant 0 : i32
    %dma_start3A_6 = tpu.memref_slice %arg9[%dma_start3A_3, %dma_start3A_4, %dma_start3A_5] : memref<8x128x64xf32, #tpu.memory_space<vmem>> -> memref<1x128x64xf32, #tpu.memory_space<vmem>>
    %dma_start3A_7 = tpu.memref_squeeze %dma_start3A_6 : memref<1x128x64xf32, #tpu.memory_space<vmem>> -> memref<128x64xf32, #tpu.memory_space<vmem>>
    %dma_start3A_8 = arith.constant 0 : i32
    %dma_start3A_9 = tpu.memref_slice %arg7[%dma_start3A, %dma_start3A_8] : memref<80x128xi32, #tpu.memory_space<vmem>> -> memref<1x128xi32, #tpu.memory_space<vmem>>
    %dma_start3A_10 = tpu.memref_squeeze %dma_start3A_9 : memref<1x128xi32, #tpu.memory_space<vmem>> -> memref<128xi32, #tpu.memory_space<vmem>>
    %dma_start3A_11 = arith.constant 0 : i32
    %dma_start3A_12 = arith.constant 0 : i32
    %dma_start3A_13 = tpu.memref_slice %arg2[%dma_start3A_11, %dma_start3A_12] : memref<10240x64xf32, #tpu.memory_space<hbm>> -> memref<10240x64xf32, #tpu.memory_space<hbm>>
    tpu.enqueue_indirect_dma source(%dma_start3A_13 : memref<10240x64xf32, #tpu.memory_space<hbm>>) target(%dma_start3A_7 : memref<128x64xf32, #tpu.memory_space<vmem>>) offsets(%dma_start3A_10 : memref<128xi32, #tpu.memory_space<vmem>>) semaphore(%arg11 : memref<!tpu.dma_semaphore, #tpu.memory_space<semaphore_mem>>)
    %dma_start3A_14 = arith.constant 1 : i32
    %dma_start3A_15 = arith.constant 1 : i32
    %dma_start3A_16 = arith.constant 0 : i32
    %dma_start3A_17 = arith.constant 0 : i32
    %dma_start3A_18 = tpu.memref_slice %arg9[%dma_start3A_15, %dma_start3A_16, %dma_start3A_17] : memref<8x128x64xf32, #tpu.memory_space<vmem>> -> memref<1x128x64xf32, #tpu.memory_space<vmem>>
    %dma_start3A_19 = tpu.memref_squeeze %dma_start3A_18 : memref<1x128x64xf32, #tpu.memory_space<vmem>> -> memref<128x64xf32, #tpu.memory_space<vmem>>
    %dma_start3A_20 = arith.constant 0 : i32
    %dma_start3A_21 = tpu.memref_slice %arg7[%dma_start3A_14, %dma_start3A_20] : memref<80x128xi32, #tpu.memory_space<vmem>> -> memref<1x128xi32, #tpu.memory_space<vmem>>
    %dma_start3A_22 = tpu.memref_squeeze %dma_start3A_21 : memref<1x128xi32, #tpu.memory_space<vmem>> -> memref<128xi32, #tpu.memory_space<vmem>>
    %dma_start3A_23 = arith.constant 0 : i32
    %dma_start3A_24 = arith.constant 0 : i32
    %dma_start3A_25 = tpu.memref_slice %arg2[%dma_start3A_23, %dma_start3A_24] : memref<10240x64xf32, #tpu.memory_space<hbm>> -> memref<10240x64xf32, #tpu.memory_space<hbm>>
    tpu.enqueue_indirect_dma source(%dma_start3A_25 : memref<10240x64xf32, #tpu.memory_space<hbm>>) target(%dma_start3A_19 : memref<128x64xf32, #tpu.memory_space<vmem>>) offsets(%dma_start3A_22 : memref<128xi32, #tpu.memory_space<vmem>>) semaphore(%arg12 : memref<!tpu.dma_semaphore, #tpu.memory_space<semaphore_mem>>)
    %dma_start3A_26 = arith.constant 2 : i32
    %dma_start3A_27 = arith.constant 2 : i32
    %dma_start3A_28 = arith.constant 0 : i32
    %dma_start3A_29 = arith.constant 0 : i32
    %dma_start3A_30 = tpu.memref_slice %arg9[%dma_start3A_27, %dma_start3A_28, %dma_start3A_29] : memref<8x128x64xf32, #tpu.memory_space<vmem>> -> memref<1x128x64xf32, #tpu.memory_space<vmem>>
    %dma_start3A_31 = tpu.memref_squeeze %dma_start3A_30 : memref<1x128x64xf32, #tpu.memory_space<vmem>> -> memref<128x64xf32, #tpu.memory_space<vmem>>
    %dma_start3A_32 = arith.constant 0 : i32
    %dma_start3A_33 = tpu.memref_slice %arg7[%dma_start3A_26, %dma_start3A_32] : memref<80x128xi32, #tpu.memory_space<vmem>> -> memref<1x128xi32, #tpu.memory_space<vmem>>
    %dma_start3A_34 = tpu.memref_squeeze %dma_start3A_33 : memref<1x128xi32, #tpu.memory_space<vmem>> -> memref<128xi32, #tpu.memory_space<vmem>>
    %dma_start3A_35 = arith.constant 0 : i32
    %dma_start3A_36 = arith.constant 0 : i32
    %dma_start3A_37 = tpu.memref_slice %arg2[%dma_start3A_35, %dma_start3A_36] : memref<10240x64xf32, #tpu.memory_space<hbm>> -> memref<10240x64xf32, #tpu.memory_space<hbm>>
    tpu.enqueue_indirect_dma source(%dma_start3A_37 : memref<10240x64xf32, #tpu.memory_space<hbm>>) target(%dma_start3A_31 : memref<128x64xf32, #tpu.memory_space<vmem>>) offsets(%dma_start3A_34 : memref<128xi32, #tpu.memory_space<vmem>>) semaphore(%arg13 : memref<!tpu.dma_semaphore, #tpu.memory_space<semaphore_mem>>)
    %dma_start3A_38 = arith.constant 3 : i32
    %dma_start3A_39 = arith.constant 3 : i32
    %dma_start3A_40 = arith.constant 0 : i32
    %dma_start3A_41 = arith.constant 0 : i32
    %dma_start3A_42 = tpu.memref_slice %arg9[%dma_start3A_39, %dma_start3A_40, %dma_start3A_41] : memref<8x128x64xf32, #tpu.memory_space<vmem>> -> memref<1x128x64xf32, #tpu.memory_space<vmem>>
    %dma_start3A_43 = tpu.memref_squeeze %dma_start3A_42 : memref<1x128x64xf32, #tpu.memory_space<vmem>> -> memref<128x64xf32, #tpu.memory_space<vmem>>
    %dma_start3A_44 = arith.constant 0 : i32
    %dma_start3A_45 = tpu.memref_slice %arg7[%dma_start3A_38, %dma_start3A_44] : memref<80x128xi32, #tpu.memory_space<vmem>> -> memref<1x128xi32, #tpu.memory_space<vmem>>
    %dma_start3A_46 = tpu.memref_squeeze %dma_start3A_45 : memref<1x128xi32, #tpu.memory_space<vmem>> -> memref<128xi32, #tpu.memory_space<vmem>>
    %dma_start3A_47 = arith.constant 0 : i32
    %dma_start3A_48 = arith.constant 0 : i32
    %dma_start3A_49 = tpu.memref_slice %arg2[%dma_start3A_47, %dma_start3A_48] : memref<10240x64xf32, #tpu.memory_space<hbm>> -> memref<10240x64xf32, #tpu.memory_space<hbm>>
    tpu.enqueue_indirect_dma source(%dma_start3A_49 : memref<10240x64xf32, #tpu.memory_space<hbm>>) target(%dma_start3A_43 : memref<128x64xf32, #tpu.memory_space<vmem>>) offsets(%dma_start3A_46 : memref<128xi32, #tpu.memory_space<vmem>>) semaphore(%arg14 : memref<!tpu.dma_semaphore, #tpu.memory_space<semaphore_mem>>)
    %dma_start3A_50 = arith.constant 4 : i32
    %dma_start3A_51 = arith.constant 4 : i32
    %dma_start3A_52 = arith.constant 0 : i32
    %dma_start3A_53 = arith.constant 0 : i32
    %dma_start3A_54 = tpu.memref_slice %arg9[%dma_start3A_51, %dma_start3A_52, %dma_start3A_53] : memref<8x128x64xf32, #tpu.memory_space<vmem>> -> memref<1x128x64xf32, #tpu.memory_space<vmem>>
    %dma_start3A_55 = tpu.memref_squeeze %dma_start3A_54 : memref<1x128x64xf32, #tpu.memory_space<vmem>> -> memref<128x64xf32, #tpu.memory_space<vmem>>
    %dma_start3A_56 = arith.constant 0 : i32
    %dma_start3A_57 = tpu.memref_slice %arg7[%dma_start3A_50, %dma_start3A_56] : memref<80x128xi32, #tpu.memory_space<vmem>> -> memref<1x128xi32, #tpu.memory_space<vmem>>
    %dma_start3A_58 = tpu.memref_squeeze %dma_start3A_57 : memref<1x128xi32, #tpu.memory_space<vmem>> -> memref<128xi32, #tpu.memory_space<vmem>>
    %dma_start3A_59 = arith.constant 0 : i32
    %dma_start3A_60 = arith.constant 0 : i32
    %dma_start3A_61 = tpu.memref_slice %arg2[%dma_start3A_59, %dma_start3A_60] : memref<10240x64xf32, #tpu.memory_space<hbm>> -> memref<10240x64xf32, #tpu.memory_space<hbm>>
    tpu.enqueue_indirect_dma source(%dma_start3A_61 : memref<10240x64xf32, #tpu.memory_space<hbm>>) target(%dma_start3A_55 : memref<128x64xf32, #tpu.memory_space<vmem>>) offsets(%dma_start3A_58 : memref<128xi32, #tpu.memory_space<vmem>>) semaphore(%arg15 : memref<!tpu.dma_semaphore, #tpu.memory_space<semaphore_mem>>)
    %dma_start3A_62 = arith.constant 5 : i32
    %dma_start3A_63 = arith.constant 5 : i32
    %dma_start3A_64 = arith.constant 0 : i32
    %dma_start3A_65 = arith.constant 0 : i32
    %dma_start3A_66 = tpu.memref_slice %arg9[%dma_start3A_63, %dma_start3A_64, %dma_start3A_65] : memref<8x128x64xf32, #tpu.memory_space<vmem>> -> memref<1x128x64xf32, #tpu.memory_space<vmem>>
    %dma_start3A_67 = tpu.memref_squeeze %dma_start3A_66 : memref<1x128x64xf32, #tpu.memory_space<vmem>> -> memref<128x64xf32, #tpu.memory_space<vmem>>
    %dma_start3A_68 = arith.constant 0 : i32
    %dma_start3A_69 = tpu.memref_slice %arg7[%dma_start3A_62, %dma_start3A_68] : memref<80x128xi32, #tpu.memory_space<vmem>> -> memref<1x128xi32, #tpu.memory_space<vmem>>
    %dma_start3A_70 = tpu.memref_squeeze %dma_start3A_69 : memref<1x128xi32, #tpu.memory_space<vmem>> -> memref<128xi32, #tpu.memory_space<vmem>>
    %dma_start3A_71 = arith.constant 0 : i32
    %dma_start3A_72 = arith.constant 0 : i32
    %dma_start3A_73 = tpu.memref_slice %arg2[%dma_start3A_71, %dma_start3A_72] : memref<10240x64xf32, #tpu.memory_space<hbm>> -> memref<10240x64xf32, #tpu.memory_space<hbm>>
    tpu.enqueue_indirect_dma source(%dma_start3A_73 : memref<10240x64xf32, #tpu.memory_space<hbm>>) target(%dma_start3A_67 : memref<128x64xf32, #tpu.memory_space<vmem>>) offsets(%dma_start3A_70 : memref<128xi32, #tpu.memory_space<vmem>>) semaphore(%arg16 : memref<!tpu.dma_semaphore, #tpu.memory_space<semaphore_mem>>)
    %dma_start3A_74 = arith.constant 6 : i32
    %dma_start3A_75 = arith.constant 6 : i32
    %dma_start3A_76 = arith.constant 0 : i32
    %dma_start3A_77 = arith.constant 0 : i32
    %dma_start3A_78 = tpu.memref_slice %arg9[%dma_start3A_75, %dma_start3A_76, %dma_start3A_77] : memref<8x128x64xf32, #tpu.memory_space<vmem>> -> memref<1x128x64xf32, #tpu.memory_space<vmem>>
    %dma_start3A_79 = tpu.memref_squeeze %dma_start3A_78 : memref<1x128x64xf32, #tpu.memory_space<vmem>> -> memref<128x64xf32, #tpu.memory_space<vmem>>
    %dma_start3A_80 = arith.constant 0 : i32
    %dma_start3A_81 = tpu.memref_slice %arg7[%dma_start3A_74, %dma_start3A_80] : memref<80x128xi32, #tpu.memory_space<vmem>> -> memref<1x128xi32, #tpu.memory_space<vmem>>
    %dma_start3A_82 = tpu.memref_squeeze %dma_start3A_81 : memref<1x128xi32, #tpu.memory_space<vmem>> -> memref<128xi32, #tpu.memory_space<vmem>>
    %dma_start3A_83 = arith.constant 0 : i32
    %dma_start3A_84 = arith.constant 0 : i32
    %dma_start3A_85 = tpu.memref_slice %arg2[%dma_start3A_83, %dma_start3A_84] : memref<10240x64xf32, #tpu.memory_space<hbm>> -> memref<10240x64xf32, #tpu.memory_space<hbm>>
    tpu.enqueue_indirect_dma source(%dma_start3A_85 : memref<10240x64xf32, #tpu.memory_space<hbm>>) target(%dma_start3A_79 : memref<128x64xf32, #tpu.memory_space<vmem>>) offsets(%dma_start3A_82 : memref<128xi32, #tpu.memory_space<vmem>>) semaphore(%arg17 : memref<!tpu.dma_semaphore, #tpu.memory_space<semaphore_mem>>)
    %dma_start3A_86 = arith.constant 7 : i32
    %dma_start3A_87 = arith.constant 7 : i32
    %dma_start3A_88 = arith.constant 0 : i32
    %dma_start3A_89 = arith.constant 0 : i32
    %dma_start3A_90 = tpu.memref_slice %arg9[%dma_start3A_87, %dma_start3A_88, %dma_start3A_89] : memref<8x128x64xf32, #tpu.memory_space<vmem>> -> memref<1x128x64xf32, #tpu.memory_space<vmem>>
    %dma_start3A_91 = tpu.memref_squeeze %dma_start3A_90 : memref<1x128x64xf32, #tpu.memory_space<vmem>> -> memref<128x64xf32, #tpu.memory_space<vmem>>
    %dma_start3A_92 = arith.constant 0 : i32
    %dma_start3A_93 = tpu.memref_slice %arg7[%dma_start3A_86, %dma_start3A_92] : memref<80x128xi32, #tpu.memory_space<vmem>> -> memref<1x128xi32, #tpu.memory_space<vmem>>
    %dma_start3A_94 = tpu.memref_squeeze %dma_start3A_93 : memref<1x128xi32, #tpu.memory_space<vmem>> -> memref<128xi32, #tpu.memory_space<vmem>>
    %dma_start3A_95 = arith.constant 0 : i32
    %dma_start3A_96 = arith.constant 0 : i32
    %dma_start3A_97 = tpu.memref_slice %arg2[%dma_start3A_95, %dma_start3A_96] : memref<10240x64xf32, #tpu.memory_space<hbm>> -> memref<10240x64xf32, #tpu.memory_space<hbm>>
    tpu.enqueue_indirect_dma source(%dma_start3A_97 : memref<10240x64xf32, #tpu.memory_space<hbm>>) target(%dma_start3A_91 : memref<128x64xf32, #tpu.memory_space<vmem>>) offsets(%dma_start3A_94 : memref<128xi32, #tpu.memory_space<vmem>>) semaphore(%arg18 : memref<!tpu.dma_semaphore, #tpu.memory_space<semaphore_mem>>)
    %scan3A = arith.constant 0 : i32
    %scan3A_98 = arith.constant 10 : i32
    %scan3A_99 = arith.addi %scan3A, %scan3A_98 : i32
    %scan3A_100 = arith.constant 1 : i32
    scf.for %scan3A_106 = %scan3A to %scan3A_99 step %scan3A_100  : i32 {
      %mul3A_107 = arith.constant 8 : i32
      %mul3A_108 = arith.muli %scan3A_106, %mul3A_107 : i32
      %add3A_109 = arith.constant 0 : i32
      %add3A_110 = arith.addi %add3A_109, %mul3A_108 : i32
      %add3A_111 = arith.constant 0 : i32
      %add3A_112 = arith.addi %add3A_110, %add3A_111 : i32
      %dma_wait3A = arith.constant 0 : i32
      %dma_wait3A_113 = arith.constant 0 : i32
      %dma_wait3A_114 = arith.constant 0 : i32
      %dma_wait3A_115 = tpu.memref_slice %arg9[%dma_wait3A, %dma_wait3A_113, %dma_wait3A_114] : memref<8x128x64xf32, #tpu.memory_space<vmem>> -> memref<1x128x64xf32, #tpu.memory_space<vmem>>
      %dma_wait3A_116 = tpu.memref_squeeze %dma_wait3A_115 : memref<1x128x64xf32, #tpu.memory_space<vmem>> -> memref<128x64xf32, #tpu.memory_space<vmem>>
      %dma_wait3A_117 = arith.constant 0 : i32
      %dma_wait3A_118 = tpu.memref_slice %arg7[%add3A_112, %dma_wait3A_117] : memref<80x128xi32, #tpu.memory_space<vmem>> -> memref<1x128xi32, #tpu.memory_space<vmem>>
      %dma_wait3A_119 = tpu.memref_squeeze %dma_wait3A_118 : memref<1x128xi32, #tpu.memory_space<vmem>> -> memref<128xi32, #tpu.memory_space<vmem>>
      %dma_wait3A_120 = arith.constant 0 : i32
      %dma_wait3A_121 = arith.constant 0 : i32
      %dma_wait3A_122 = tpu.memref_slice %arg2[%dma_wait3A_120, %dma_wait3A_121] : memref<10240x64xf32, #tpu.memory_space<hbm>> -> memref<10240x64xf32, #tpu.memory_space<hbm>>
      tpu.wait_indirect_dma semaphore(%arg11 : memref<!tpu.dma_semaphore, #tpu.memory_space<semaphore_mem>>) src(%dma_wait3A_122 : memref<10240x64xf32, #tpu.memory_space<hbm>>) dst(%dma_wait3A_116 : memref<128x64xf32, #tpu.memory_space<vmem>>)
      %add3A_123 = arith.constant 0 : i32
      %add3A_124 = arith.addi %add3A_110, %add3A_123 : i32
      %dma_start3A_125 = arith.constant 0 : i32
      %dma_start3A_126 = arith.constant 0 : i32
      %dma_start3A_127 = arith.constant 0 : i32
      %dma_start3A_128 = tpu.memref_slice %arg9[%dma_start3A_125, %dma_start3A_126, %dma_start3A_127] : memref<8x128x64xf32, #tpu.memory_space<vmem>> -> memref<1x128x64xf32, #tpu.memory_space<vmem>>
      %dma_start3A_129 = tpu.memref_squeeze %dma_start3A_128 : memref<1x128x64xf32, #tpu.memory_space<vmem>> -> memref<128x64xf32, #tpu.memory_space<vmem>>
      %dma_start3A_130 = arith.constant 0 : i32
      %dma_start3A_131 = tpu.memref_slice %arg8[%add3A_124, %dma_start3A_130] : memref<80x128xi32, #tpu.memory_space<vmem>> -> memref<1x128xi32, #tpu.memory_space<vmem>>
      %dma_start3A_132 = tpu.memref_squeeze %dma_start3A_131 : memref<1x128xi32, #tpu.memory_space<vmem>> -> memref<128xi32, #tpu.memory_space<vmem>>
      %dma_start3A_133 = arith.constant 0 : i32
      %dma_start3A_134 = arith.constant 0 : i32
      %dma_start3A_135 = tpu.memref_slice %arg10[%dma_start3A_133, %dma_start3A_134] : memref<10240x64xf32, #tpu.memory_space<vmem_shared>> -> memref<10240x64xf32, #tpu.memory_space<vmem_shared>>
      tpu.enqueue_indirect_dma source(%dma_start3A_129 : memref<128x64xf32, #tpu.memory_space<vmem>>) target(%dma_start3A_135 : memref<10240x64xf32, #tpu.memory_space<vmem_shared>>) offsets(%dma_start3A_132 : memref<128xi32, #tpu.memory_space<vmem>>) semaphore(%arg19 : memref<!tpu.dma_semaphore, #tpu.memory_space<semaphore_mem>>) {add = true}
      %add3A_136 = arith.constant 1 : i32
      %add3A_137 = arith.addi %add3A_110, %add3A_136 : i32
      %dma_wait3A_138 = arith.constant 1 : i32
      %dma_wait3A_139 = arith.constant 0 : i32
      %dma_wait3A_140 = arith.constant 0 : i32
      %dma_wait3A_141 = tpu.memref_slice %arg9[%dma_wait3A_138, %dma_wait3A_139, %dma_wait3A_140] : memref<8x128x64xf32, #tpu.memory_space<vmem>> -> memref<1x128x64xf32, #tpu.memory_space<vmem>>
      %dma_wait3A_142 = tpu.memref_squeeze %dma_wait3A_141 : memref<1x128x64xf32, #tpu.memory_space<vmem>> -> memref<128x64xf32, #tpu.memory_space<vmem>>
      %dma_wait3A_143 = arith.constant 0 : i32
      %dma_wait3A_144 = tpu.memref_slice %arg7[%add3A_137, %dma_wait3A_143] : memref<80x128xi32, #tpu.memory_space<vmem>> -> memref<1x128xi32, #tpu.memory_space<vmem>>
      %dma_wait3A_145 = tpu.memref_squeeze %dma_wait3A_144 : memref<1x128xi32, #tpu.memory_space<vmem>> -> memref<128xi32, #tpu.memory_space<vmem>>
      %dma_wait3A_146 = arith.constant 0 : i32
      %dma_wait3A_147 = arith.constant 0 : i32
      %dma_wait3A_148 = tpu.memref_slice %arg2[%dma_wait3A_146, %dma_wait3A_147] : memref<10240x64xf32, #tpu.memory_space<hbm>> -> memref<10240x64xf32, #tpu.memory_space<hbm>>
      tpu.wait_indirect_dma semaphore(%arg12 : memref<!tpu.dma_semaphore, #tpu.memory_space<semaphore_mem>>) src(%dma_wait3A_148 : memref<10240x64xf32, #tpu.memory_space<hbm>>) dst(%dma_wait3A_142 : memref<128x64xf32, #tpu.memory_space<vmem>>)
      %add3A_149 = arith.constant 1 : i32
      %add3A_150 = arith.addi %add3A_110, %add3A_149 : i32
      %dma_start3A_151 = arith.constant 1 : i32
      %dma_start3A_152 = arith.constant 0 : i32
      %dma_start3A_153 = arith.constant 0 : i32
      %dma_start3A_154 = tpu.memref_slice %arg9[%dma_start3A_151, %dma_start3A_152, %dma_start3A_153] : memref<8x128x64xf32, #tpu.memory_space<vmem>> -> memref<1x128x64xf32, #tpu.memory_space<vmem>>
      %dma_start3A_155 = tpu.memref_squeeze %dma_start3A_154 : memref<1x128x64xf32, #tpu.memory_space<vmem>> -> memref<128x64xf32, #tpu.memory_space<vmem>>
      %dma_start3A_156 = arith.constant 0 : i32
      %dma_start3A_157 = tpu.memref_slice %arg8[%add3A_150, %dma_start3A_156] : memref<80x128xi32, #tpu.memory_space<vmem>> -> memref<1x128xi32, #tpu.memory_space<vmem>>
      %dma_start3A_158 = tpu.memref_squeeze %dma_start3A_157 : memref<1x128xi32, #tpu.memory_space<vmem>> -> memref<128xi32, #tpu.memory_space<vmem>>
      %dma_start3A_159 = arith.constant 0 : i32
      %dma_start3A_160 = arith.constant 0 : i32
      %dma_start3A_161 = tpu.memref_slice %arg10[%dma_start3A_159, %dma_start3A_160] : memref<10240x64xf32, #tpu.memory_space<vmem_shared>> -> memref<10240x64xf32, #tpu.memory_space<vmem_shared>>
      tpu.enqueue_indirect_dma source(%dma_start3A_155 : memref<128x64xf32, #tpu.memory_space<vmem>>) target(%dma_start3A_161 : memref<10240x64xf32, #tpu.memory_space<vmem_shared>>) offsets(%dma_start3A_158 : memref<128xi32, #tpu.memory_space<vmem>>) semaphore(%arg20 : memref<!tpu.dma_semaphore, #tpu.memory_space<semaphore_mem>>) {add = true}
      %add3A_162 = arith.constant 2 : i32
      %add3A_163 = arith.addi %add3A_110, %add3A_162 : i32
      %dma_wait3A_164 = arith.constant 2 : i32
      %dma_wait3A_165 = arith.constant 0 : i32
      %dma_wait3A_166 = arith.constant 0 : i32
      %dma_wait3A_167 = tpu.memref_slice %arg9[%dma_wait3A_164, %dma_wait3A_165, %dma_wait3A_166] : memref<8x128x64xf32, #tpu.memory_space<vmem>> -> memref<1x128x64xf32, #tpu.memory_space<vmem>>
      %dma_wait3A_168 = tpu.memref_squeeze %dma_wait3A_167 : memref<1x128x64xf32, #tpu.memory_space<vmem>> -> memref<128x64xf32, #tpu.memory_space<vmem>>
      %dma_wait3A_169 = arith.constant 0 : i32
      %dma_wait3A_170 = tpu.memref_slice %arg7[%add3A_163, %dma_wait3A_169] : memref<80x128xi32, #tpu.memory_space<vmem>> -> memref<1x128xi32, #tpu.memory_space<vmem>>
      %dma_wait3A_171 = tpu.memref_squeeze %dma_wait3A_170 : memref<1x128xi32, #tpu.memory_space<vmem>> -> memref<128xi32, #tpu.memory_space<vmem>>
      %dma_wait3A_172 = arith.constant 0 : i32
      %dma_wait3A_173 = arith.constant 0 : i32
      %dma_wait3A_174 = tpu.memref_slice %arg2[%dma_wait3A_172, %dma_wait3A_173] : memref<10240x64xf32, #tpu.memory_space<hbm>> -> memref<10240x64xf32, #tpu.memory_space<hbm>>
      tpu.wait_indirect_dma semaphore(%arg13 : memref<!tpu.dma_semaphore, #tpu.memory_space<semaphore_mem>>) src(%dma_wait3A_174 : memref<10240x64xf32, #tpu.memory_space<hbm>>) dst(%dma_wait3A_168 : memref<128x64xf32, #tpu.memory_space<vmem>>)
      %add3A_175 = arith.constant 2 : i32
      %add3A_176 = arith.addi %add3A_110, %add3A_175 : i32
      %dma_start3A_177 = arith.constant 2 : i32
      %dma_start3A_178 = arith.constant 0 : i32
      %dma_start3A_179 = arith.constant 0 : i32
      %dma_start3A_180 = tpu.memref_slice %arg9[%dma_start3A_177, %dma_start3A_178, %dma_start3A_179] : memref<8x128x64xf32, #tpu.memory_space<vmem>> -> memref<1x128x64xf32, #tpu.memory_space<vmem>>
      %dma_start3A_181 = tpu.memref_squeeze %dma_start3A_180 : memref<1x128x64xf32, #tpu.memory_space<vmem>> -> memref<128x64xf32, #tpu.memory_space<vmem>>
      %dma_start3A_182 = arith.constant 0 : i32
      %dma_start3A_183 = tpu.memref_slice %arg8[%add3A_176, %dma_start3A_182] : memref<80x128xi32, #tpu.memory_space<vmem>> -> memref<1x128xi32, #tpu.memory_space<vmem>>
      %dma_start3A_184 = tpu.memref_squeeze %dma_start3A_183 : memref<1x128xi32, #tpu.memory_space<vmem>> -> memref<128xi32, #tpu.memory_space<vmem>>
      %dma_start3A_185 = arith.constant 0 : i32
      %dma_start3A_186 = arith.constant 0 : i32
      %dma_start3A_187 = tpu.memref_slice %arg10[%dma_start3A_185, %dma_start3A_186] : memref<10240x64xf32, #tpu.memory_space<vmem_shared>> -> memref<10240x64xf32, #tpu.memory_space<vmem_shared>>
      tpu.enqueue_indirect_dma source(%dma_start3A_181 : memref<128x64xf32, #tpu.memory_space<vmem>>) target(%dma_start3A_187 : memref<10240x64xf32, #tpu.memory_space<vmem_shared>>) offsets(%dma_start3A_184 : memref<128xi32, #tpu.memory_space<vmem>>) semaphore(%arg21 : memref<!tpu.dma_semaphore, #tpu.memory_space<semaphore_mem>>) {add = true}
      %add3A_188 = arith.constant 3 : i32
      %add3A_189 = arith.addi %add3A_110, %add3A_188 : i32
      %dma_wait3A_190 = arith.constant 3 : i32
      %dma_wait3A_191 = arith.constant 0 : i32
      %dma_wait3A_192 = arith.constant 0 : i32
      %dma_wait3A_193 = tpu.memref_slice %arg9[%dma_wait3A_190, %dma_wait3A_191, %dma_wait3A_192] : memref<8x128x64xf32, #tpu.memory_space<vmem>> -> memref<1x128x64xf32, #tpu.memory_space<vmem>>
      %dma_wait3A_194 = tpu.memref_squeeze %dma_wait3A_193 : memref<1x128x64xf32, #tpu.memory_space<vmem>> -> memref<128x64xf32, #tpu.memory_space<vmem>>
      %dma_wait3A_195 = arith.constant 0 : i32
      %dma_wait3A_196 = tpu.memref_slice %arg7[%add3A_189, %dma_wait3A_195] : memref<80x128xi32, #tpu.memory_space<vmem>> -> memref<1x128xi32, #tpu.memory_space<vmem>>
      %dma_wait3A_197 = tpu.memref_squeeze %dma_wait3A_196 : memref<1x128xi32, #tpu.memory_space<vmem>> -> memref<128xi32, #tpu.memory_space<vmem>>
      %dma_wait3A_198 = arith.constant 0 : i32
      %dma_wait3A_199 = arith.constant 0 : i32
      %dma_wait3A_200 = tpu.memref_slice %arg2[%dma_wait3A_198, %dma_wait3A_199] : memref<10240x64xf32, #tpu.memory_space<hbm>> -> memref<10240x64xf32, #tpu.memory_space<hbm>>
      tpu.wait_indirect_dma semaphore(%arg14 : memref<!tpu.dma_semaphore, #tpu.memory_space<semaphore_mem>>) src(%dma_wait3A_200 : memref<10240x64xf32, #tpu.memory_space<hbm>>) dst(%dma_wait3A_194 : memref<128x64xf32, #tpu.memory_space<vmem>>)
      %add3A_201 = arith.constant 3 : i32
      %add3A_202 = arith.addi %add3A_110, %add3A_201 : i32
      %dma_start3A_203 = arith.constant 3 : i32
      %dma_start3A_204 = arith.constant 0 : i32
      %dma_start3A_205 = arith.constant 0 : i32
      %dma_start3A_206 = tpu.memref_slice %arg9[%dma_start3A_203, %dma_start3A_204, %dma_start3A_205] : memref<8x128x64xf32, #tpu.memory_space<vmem>> -> memref<1x128x64xf32, #tpu.memory_space<vmem>>
      %dma_start3A_207 = tpu.memref_squeeze %dma_start3A_206 : memref<1x128x64xf32, #tpu.memory_space<vmem>> -> memref<128x64xf32, #tpu.memory_space<vmem>>
      %dma_start3A_208 = arith.constant 0 : i32
      %dma_start3A_209 = tpu.memref_slice %arg8[%add3A_202, %dma_start3A_208] : memref<80x128xi32, #tpu.memory_space<vmem>> -> memref<1x128xi32, #tpu.memory_space<vmem>>
      %dma_start3A_210 = tpu.memref_squeeze %dma_start3A_209 : memref<1x128xi32, #tpu.memory_space<vmem>> -> memref<128xi32, #tpu.memory_space<vmem>>
      %dma_start3A_211 = arith.constant 0 : i32
      %dma_start3A_212 = arith.constant 0 : i32
      %dma_start3A_213 = tpu.memref_slice %arg10[%dma_start3A_211, %dma_start3A_212] : memref<10240x64xf32, #tpu.memory_space<vmem_shared>> -> memref<10240x64xf32, #tpu.memory_space<vmem_shared>>
      tpu.enqueue_indirect_dma source(%dma_start3A_207 : memref<128x64xf32, #tpu.memory_space<vmem>>) target(%dma_start3A_213 : memref<10240x64xf32, #tpu.memory_space<vmem_shared>>) offsets(%dma_start3A_210 : memref<128xi32, #tpu.memory_space<vmem>>) semaphore(%arg22 : memref<!tpu.dma_semaphore, #tpu.memory_space<semaphore_mem>>) {add = true}
      %add3A_214 = arith.constant 4 : i32
      %add3A_215 = arith.addi %add3A_110, %add3A_214 : i32
      %dma_wait3A_216 = arith.constant 4 : i32
      %dma_wait3A_217 = arith.constant 0 : i32
      %dma_wait3A_218 = arith.constant 0 : i32
      %dma_wait3A_219 = tpu.memref_slice %arg9[%dma_wait3A_216, %dma_wait3A_217, %dma_wait3A_218] : memref<8x128x64xf32, #tpu.memory_space<vmem>> -> memref<1x128x64xf32, #tpu.memory_space<vmem>>
      %dma_wait3A_220 = tpu.memref_squeeze %dma_wait3A_219 : memref<1x128x64xf32, #tpu.memory_space<vmem>> -> memref<128x64xf32, #tpu.memory_space<vmem>>
      %dma_wait3A_221 = arith.constant 0 : i32
      %dma_wait3A_222 = tpu.memref_slice %arg7[%add3A_215, %dma_wait3A_221] : memref<80x128xi32, #tpu.memory_space<vmem>> -> memref<1x128xi32, #tpu.memory_space<vmem>>
      %dma_wait3A_223 = tpu.memref_squeeze %dma_wait3A_222 : memref<1x128xi32, #tpu.memory_space<vmem>> -> memref<128xi32, #tpu.memory_space<vmem>>
      %dma_wait3A_224 = arith.constant 0 : i32
      %dma_wait3A_225 = arith.constant 0 : i32
      %dma_wait3A_226 = tpu.memref_slice %arg2[%dma_wait3A_224, %dma_wait3A_225] : memref<10240x64xf32, #tpu.memory_space<hbm>> -> memref<10240x64xf32, #tpu.memory_space<hbm>>
      tpu.wait_indirect_dma semaphore(%arg15 : memref<!tpu.dma_semaphore, #tpu.memory_space<semaphore_mem>>) src(%dma_wait3A_226 : memref<10240x64xf32, #tpu.memory_space<hbm>>) dst(%dma_wait3A_220 : memref<128x64xf32, #tpu.memory_space<vmem>>)
      %add3A_227 = arith.constant 4 : i32
      %add3A_228 = arith.addi %add3A_110, %add3A_227 : i32
      %dma_start3A_229 = arith.constant 4 : i32
      %dma_start3A_230 = arith.constant 0 : i32
      %dma_start3A_231 = arith.constant 0 : i32
      %dma_start3A_232 = tpu.memref_slice %arg9[%dma_start3A_229, %dma_start3A_230, %dma_start3A_231] : memref<8x128x64xf32, #tpu.memory_space<vmem>> -> memref<1x128x64xf32, #tpu.memory_space<vmem>>
      %dma_start3A_233 = tpu.memref_squeeze %dma_start3A_232 : memref<1x128x64xf32, #tpu.memory_space<vmem>> -> memref<128x64xf32, #tpu.memory_space<vmem>>
      %dma_start3A_234 = arith.constant 0 : i32
      %dma_start3A_235 = tpu.memref_slice %arg8[%add3A_228, %dma_start3A_234] : memref<80x128xi32, #tpu.memory_space<vmem>> -> memref<1x128xi32, #tpu.memory_space<vmem>>
      %dma_start3A_236 = tpu.memref_squeeze %dma_start3A_235 : memref<1x128xi32, #tpu.memory_space<vmem>> -> memref<128xi32, #tpu.memory_space<vmem>>
      %dma_start3A_237 = arith.constant 0 : i32
      %dma_start3A_238 = arith.constant 0 : i32
      %dma_start3A_239 = tpu.memref_slice %arg10[%dma_start3A_237, %dma_start3A_238] : memref<10240x64xf32, #tpu.memory_space<vmem_shared>> -> memref<10240x64xf32, #tpu.memory_space<vmem_shared>>
      tpu.enqueue_indirect_dma source(%dma_start3A_233 : memref<128x64xf32, #tpu.memory_space<vmem>>) target(%dma_start3A_239 : memref<10240x64xf32, #tpu.memory_space<vmem_shared>>) offsets(%dma_start3A_236 : memref<128xi32, #tpu.memory_space<vmem>>) semaphore(%arg23 : memref<!tpu.dma_semaphore, #tpu.memory_space<semaphore_mem>>) {add = true}
      %add3A_240 = arith.constant 5 : i32
      %add3A_241 = arith.addi %add3A_110, %add3A_240 : i32
      %dma_wait3A_242 = arith.constant 5 : i32
      %dma_wait3A_243 = arith.constant 0 : i32
      %dma_wait3A_244 = arith.constant 0 : i32
      %dma_wait3A_245 = tpu.memref_slice %arg9[%dma_wait3A_242, %dma_wait3A_243, %dma_wait3A_244] : memref<8x128x64xf32, #tpu.memory_space<vmem>> -> memref<1x128x64xf32, #tpu.memory_space<vmem>>
      %dma_wait3A_246 = tpu.memref_squeeze %dma_wait3A_245 : memref<1x128x64xf32, #tpu.memory_space<vmem>> -> memref<128x64xf32, #tpu.memory_space<vmem>>
      %dma_wait3A_247 = arith.constant 0 : i32
      %dma_wait3A_248 = tpu.memref_slice %arg7[%add3A_241, %dma_wait3A_247] : memref<80x128xi32, #tpu.memory_space<vmem>> -> memref<1x128xi32, #tpu.memory_space<vmem>>
      %dma_wait3A_249 = tpu.memref_squeeze %dma_wait3A_248 : memref<1x128xi32, #tpu.memory_space<vmem>> -> memref<128xi32, #tpu.memory_space<vmem>>
      %dma_wait3A_250 = arith.constant 0 : i32
      %dma_wait3A_251 = arith.constant 0 : i32
      %dma_wait3A_252 = tpu.memref_slice %arg2[%dma_wait3A_250, %dma_wait3A_251] : memref<10240x64xf32, #tpu.memory_space<hbm>> -> memref<10240x64xf32, #tpu.memory_space<hbm>>
      tpu.wait_indirect_dma semaphore(%arg16 : memref<!tpu.dma_semaphore, #tpu.memory_space<semaphore_mem>>) src(%dma_wait3A_252 : memref<10240x64xf32, #tpu.memory_space<hbm>>) dst(%dma_wait3A_246 : memref<128x64xf32, #tpu.memory_space<vmem>>)
      %add3A_253 = arith.constant 5 : i32
      %add3A_254 = arith.addi %add3A_110, %add3A_253 : i32
      %dma_start3A_255 = arith.constant 5 : i32
      %dma_start3A_256 = arith.constant 0 : i32
      %dma_start3A_257 = arith.constant 0 : i32
      %dma_start3A_258 = tpu.memref_slice %arg9[%dma_start3A_255, %dma_start3A_256, %dma_start3A_257] : memref<8x128x64xf32, #tpu.memory_space<vmem>> -> memref<1x128x64xf32, #tpu.memory_space<vmem>>
      %dma_start3A_259 = tpu.memref_squeeze %dma_start3A_258 : memref<1x128x64xf32, #tpu.memory_space<vmem>> -> memref<128x64xf32, #tpu.memory_space<vmem>>
      %dma_start3A_260 = arith.constant 0 : i32
      %dma_start3A_261 = tpu.memref_slice %arg8[%add3A_254, %dma_start3A_260] : memref<80x128xi32, #tpu.memory_space<vmem>> -> memref<1x128xi32, #tpu.memory_space<vmem>>
      %dma_start3A_262 = tpu.memref_squeeze %dma_start3A_261 : memref<1x128xi32, #tpu.memory_space<vmem>> -> memref<128xi32, #tpu.memory_space<vmem>>
      %dma_start3A_263 = arith.constant 0 : i32
      %dma_start3A_264 = arith.constant 0 : i32
      %dma_start3A_265 = tpu.memref_slice %arg10[%dma_start3A_263, %dma_start3A_264] : memref<10240x64xf32, #tpu.memory_space<vmem_shared>> -> memref<10240x64xf32, #tpu.memory_space<vmem_shared>>
      tpu.enqueue_indirect_dma source(%dma_start3A_259 : memref<128x64xf32, #tpu.memory_space<vmem>>) target(%dma_start3A_265 : memref<10240x64xf32, #tpu.memory_space<vmem_shared>>) offsets(%dma_start3A_262 : memref<128xi32, #tpu.memory_space<vmem>>) semaphore(%arg24 : memref<!tpu.dma_semaphore, #tpu.memory_space<semaphore_mem>>) {add = true}
      %add3A_266 = arith.constant 6 : i32
      %add3A_267 = arith.addi %add3A_110, %add3A_266 : i32
      %dma_wait3A_268 = arith.constant 6 : i32
      %dma_wait3A_269 = arith.constant 0 : i32
      %dma_wait3A_270 = arith.constant 0 : i32
      %dma_wait3A_271 = tpu.memref_slice %arg9[%dma_wait3A_268, %dma_wait3A_269, %dma_wait3A_270] : memref<8x128x64xf32, #tpu.memory_space<vmem>> -> memref<1x128x64xf32, #tpu.memory_space<vmem>>
      %dma_wait3A_272 = tpu.memref_squeeze %dma_wait3A_271 : memref<1x128x64xf32, #tpu.memory_space<vmem>> -> memref<128x64xf32, #tpu.memory_space<vmem>>
      %dma_wait3A_273 = arith.constant 0 : i32
      %dma_wait3A_274 = tpu.memref_slice %arg7[%add3A_267, %dma_wait3A_273] : memref<80x128xi32, #tpu.memory_space<vmem>> -> memref<1x128xi32, #tpu.memory_space<vmem>>
      %dma_wait3A_275 = tpu.memref_squeeze %dma_wait3A_274 : memref<1x128xi32, #tpu.memory_space<vmem>> -> memref<128xi32, #tpu.memory_space<vmem>>
      %dma_wait3A_276 = arith.constant 0 : i32
      %dma_wait3A_277 = arith.constant 0 : i32
      %dma_wait3A_278 = tpu.memref_slice %arg2[%dma_wait3A_276, %dma_wait3A_277] : memref<10240x64xf32, #tpu.memory_space<hbm>> -> memref<10240x64xf32, #tpu.memory_space<hbm>>
      tpu.wait_indirect_dma semaphore(%arg17 : memref<!tpu.dma_semaphore, #tpu.memory_space<semaphore_mem>>) src(%dma_wait3A_278 : memref<10240x64xf32, #tpu.memory_space<hbm>>) dst(%dma_wait3A_272 : memref<128x64xf32, #tpu.memory_space<vmem>>)
      %add3A_279 = arith.constant 6 : i32
      %add3A_280 = arith.addi %add3A_110, %add3A_279 : i32
      %dma_start3A_281 = arith.constant 6 : i32
      %dma_start3A_282 = arith.constant 0 : i32
      %dma_start3A_283 = arith.constant 0 : i32
      %dma_start3A_284 = tpu.memref_slice %arg9[%dma_start3A_281, %dma_start3A_282, %dma_start3A_283] : memref<8x128x64xf32, #tpu.memory_space<vmem>> -> memref<1x128x64xf32, #tpu.memory_space<vmem>>
      %dma_start3A_285 = tpu.memref_squeeze %dma_start3A_284 : memref<1x128x64xf32, #tpu.memory_space<vmem>> -> memref<128x64xf32, #tpu.memory_space<vmem>>
      %dma_start3A_286 = arith.constant 0 : i32
      %dma_start3A_287 = tpu.memref_slice %arg8[%add3A_280, %dma_start3A_286] : memref<80x128xi32, #tpu.memory_space<vmem>> -> memref<1x128xi32, #tpu.memory_space<vmem>>
      %dma_start3A_288 = tpu.memref_squeeze %dma_start3A_287 : memref<1x128xi32, #tpu.memory_space<vmem>> -> memref<128xi32, #tpu.memory_space<vmem>>
      %dma_start3A_289 = arith.constant 0 : i32
      %dma_start3A_290 = arith.constant 0 : i32
      %dma_start3A_291 = tpu.memref_slice %arg10[%dma_start3A_289, %dma_start3A_290] : memref<10240x64xf32, #tpu.memory_space<vmem_shared>> -> memref<10240x64xf32, #tpu.memory_space<vmem_shared>>
      tpu.enqueue_indirect_dma source(%dma_start3A_285 : memref<128x64xf32, #tpu.memory_space<vmem>>) target(%dma_start3A_291 : memref<10240x64xf32, #tpu.memory_space<vmem_shared>>) offsets(%dma_start3A_288 : memref<128xi32, #tpu.memory_space<vmem>>) semaphore(%arg25 : memref<!tpu.dma_semaphore, #tpu.memory_space<semaphore_mem>>) {add = true}
      %add3A_292 = arith.constant 7 : i32
      %add3A_293 = arith.addi %add3A_110, %add3A_292 : i32
      %dma_wait3A_294 = arith.constant 7 : i32
      %dma_wait3A_295 = arith.constant 0 : i32
      %dma_wait3A_296 = arith.constant 0 : i32
      %dma_wait3A_297 = tpu.memref_slice %arg9[%dma_wait3A_294, %dma_wait3A_295, %dma_wait3A_296] : memref<8x128x64xf32, #tpu.memory_space<vmem>> -> memref<1x128x64xf32, #tpu.memory_space<vmem>>
      %dma_wait3A_298 = tpu.memref_squeeze %dma_wait3A_297 : memref<1x128x64xf32, #tpu.memory_space<vmem>> -> memref<128x64xf32, #tpu.memory_space<vmem>>
      %dma_wait3A_299 = arith.constant 0 : i32
      %dma_wait3A_300 = tpu.memref_slice %arg7[%add3A_293, %dma_wait3A_299] : memref<80x128xi32, #tpu.memory_space<vmem>> -> memref<1x128xi32, #tpu.memory_space<vmem>>
      %dma_wait3A_301 = tpu.memref_squeeze %dma_wait3A_300 : memref<1x128xi32, #tpu.memory_space<vmem>> -> memref<128xi32, #tpu.memory_space<vmem>>
      %dma_wait3A_302 = arith.constant 0 : i32
      %dma_wait3A_303 = arith.constant 0 : i32
      %dma_wait3A_304 = tpu.memref_slice %arg2[%dma_wait3A_302, %dma_wait3A_303] : memref<10240x64xf32, #tpu.memory_space<hbm>> -> memref<10240x64xf32, #tpu.memory_space<hbm>>
      tpu.wait_indirect_dma semaphore(%arg18 : memref<!tpu.dma_semaphore, #tpu.memory_space<semaphore_mem>>) src(%dma_wait3A_304 : memref<10240x64xf32, #tpu.memory_space<hbm>>) dst(%dma_wait3A_298 : memref<128x64xf32, #tpu.memory_space<vmem>>)
      %add3A_305 = arith.constant 7 : i32
      %add3A_306 = arith.addi %add3A_110, %add3A_305 : i32
      %dma_start3A_307 = arith.constant 7 : i32
      %dma_start3A_308 = arith.constant 0 : i32
      %dma_start3A_309 = arith.constant 0 : i32
      %dma_start3A_310 = tpu.memref_slice %arg9[%dma_start3A_307, %dma_start3A_308, %dma_start3A_309] : memref<8x128x64xf32, #tpu.memory_space<vmem>> -> memref<1x128x64xf32, #tpu.memory_space<vmem>>
      %dma_start3A_311 = tpu.memref_squeeze %dma_start3A_310 : memref<1x128x64xf32, #tpu.memory_space<vmem>> -> memref<128x64xf32, #tpu.memory_space<vmem>>
      %dma_start3A_312 = arith.constant 0 : i32
      %dma_start3A_313 = tpu.memref_slice %arg8[%add3A_306, %dma_start3A_312] : memref<80x128xi32, #tpu.memory_space<vmem>> -> memref<1x128xi32, #tpu.memory_space<vmem>>
      %dma_start3A_314 = tpu.memref_squeeze %dma_start3A_313 : memref<1x128xi32, #tpu.memory_space<vmem>> -> memref<128xi32, #tpu.memory_space<vmem>>
      %dma_start3A_315 = arith.constant 0 : i32
      %dma_start3A_316 = arith.constant 0 : i32
      %dma_start3A_317 = tpu.memref_slice %arg10[%dma_start3A_315, %dma_start3A_316] : memref<10240x64xf32, #tpu.memory_space<vmem_shared>> -> memref<10240x64xf32, #tpu.memory_space<vmem_shared>>
      tpu.enqueue_indirect_dma source(%dma_start3A_311 : memref<128x64xf32, #tpu.memory_space<vmem>>) target(%dma_start3A_317 : memref<10240x64xf32, #tpu.memory_space<vmem_shared>>) offsets(%dma_start3A_314 : memref<128xi32, #tpu.memory_space<vmem>>) semaphore(%arg26 : memref<!tpu.dma_semaphore, #tpu.memory_space<semaphore_mem>>) {add = true}
      %add3A_318 = arith.constant 0 : i32
      %add3A_319 = arith.addi %add3A_110, %add3A_318 : i32
      %dma_wait3A_320 = arith.constant 0 : i32
      %dma_wait3A_321 = arith.constant 0 : i32
      %dma_wait3A_322 = arith.constant 0 : i32
      %dma_wait3A_323 = tpu.memref_slice %arg9[%dma_wait3A_320, %dma_wait3A_321, %dma_wait3A_322] : memref<8x128x64xf32, #tpu.memory_space<vmem>> -> memref<1x128x64xf32, #tpu.memory_space<vmem>>
      %dma_wait3A_324 = tpu.memref_squeeze %dma_wait3A_323 : memref<1x128x64xf32, #tpu.memory_space<vmem>> -> memref<128x64xf32, #tpu.memory_space<vmem>>
      %dma_wait3A_325 = arith.constant 0 : i32
      %dma_wait3A_326 = tpu.memref_slice %arg8[%add3A_319, %dma_wait3A_325] : memref<80x128xi32, #tpu.memory_space<vmem>> -> memref<1x128xi32, #tpu.memory_space<vmem>>
      %dma_wait3A_327 = tpu.memref_squeeze %dma_wait3A_326 : memref<1x128xi32, #tpu.memory_space<vmem>> -> memref<128xi32, #tpu.memory_space<vmem>>
      %dma_wait3A_328 = arith.constant 0 : i32
      %dma_wait3A_329 = arith.constant 0 : i32
      %dma_wait3A_330 = tpu.memref_slice %arg10[%dma_wait3A_328, %dma_wait3A_329] : memref<10240x64xf32, #tpu.memory_space<vmem_shared>> -> memref<10240x64xf32, #tpu.memory_space<vmem_shared>>
      tpu.wait_indirect_dma semaphore(%arg19 : memref<!tpu.dma_semaphore, #tpu.memory_space<semaphore_mem>>) src(%dma_wait3A_324 : memref<128x64xf32, #tpu.memory_space<vmem>>) dst(%dma_wait3A_330 : memref<10240x64xf32, #tpu.memory_space<vmem_shared>>)
      %add3A_331 = arith.constant 8 : i32
      %add3A_332 = arith.addi %add3A_110, %add3A_331 : i32
      %add3A_333 = arith.constant 0 : i32
      %add3A_334 = arith.addi %add3A_332, %add3A_333 : i32
      %lt3A = arith.constant 80 : i32
      %lt3A_335 = arith.cmpi slt, %add3A_334, %lt3A : i32
      %convert_element_type3A = arith.extui %lt3A_335 : i1 to i32
      %cond3A = arith.constant 0 : i32
      %cond3A_336 = arith.cmpi ne, %convert_element_type3A, %cond3A : i32
      scf.if %cond3A_336 {
        %add3A_491 = arith.constant 8 : i32
        %add3A_492 = arith.addi %add3A_110, %add3A_491 : i32
        %add3A_493 = arith.constant 0 : i32
        %add3A_494 = arith.addi %add3A_492, %add3A_493 : i32
        %dma_start3A_495 = arith.constant 0 : i32
        %dma_start3A_496 = arith.constant 0 : i32
        %dma_start3A_497 = arith.constant 0 : i32
        %dma_start3A_498 = tpu.memref_slice %arg9[%dma_start3A_495, %dma_start3A_496, %dma_start3A_497] : memref<8x128x64xf32, #tpu.memory_space<vmem>> -> memref<1x128x64xf32, #tpu.memory_space<vmem>>
        %dma_start3A_499 = tpu.memref_squeeze %dma_start3A_498 : memref<1x128x64xf32, #tpu.memory_space<vmem>> -> memref<128x64xf32, #tpu.memory_space<vmem>>
        %dma_start3A_500 = arith.constant 0 : i32
        %dma_start3A_501 = tpu.memref_slice %arg7[%add3A_494, %dma_start3A_500] : memref<80x128xi32, #tpu.memory_space<vmem>> -> memref<1x128xi32, #tpu.memory_space<vmem>>
        %dma_start3A_502 = tpu.memref_squeeze %dma_start3A_501 : memref<1x128xi32, #tpu.memory_space<vmem>> -> memref<128xi32, #tpu.memory_space<vmem>>
        %dma_start3A_503 = arith.constant 0 : i32
        %dma_start3A_504 = arith.constant 0 : i32
        %dma_start3A_505 = tpu.memref_slice %arg2[%dma_start3A_503, %dma_start3A_504] : memref<10240x64xf32, #tpu.memory_space<hbm>> -> memref<10240x64xf32, #tpu.memory_space<hbm>>
        tpu.enqueue_indirect_dma source(%dma_start3A_505 : memref<10240x64xf32, #tpu.memory_space<hbm>>) target(%dma_start3A_499 : memref<128x64xf32, #tpu.memory_space<vmem>>) offsets(%dma_start3A_502 : memref<128xi32, #tpu.memory_space<vmem>>) semaphore(%arg11 : memref<!tpu.dma_semaphore, #tpu.memory_space<semaphore_mem>>)
      } else {
      }
      %add3A_337 = arith.constant 1 : i32
      %add3A_338 = arith.addi %add3A_110, %add3A_337 : i32
      %dma_wait3A_339 = arith.constant 1 : i32
      %dma_wait3A_340 = arith.constant 0 : i32
      %dma_wait3A_341 = arith.constant 0 : i32
      %dma_wait3A_342 = tpu.memref_slice %arg9[%dma_wait3A_339, %dma_wait3A_340, %dma_wait3A_341] : memref<8x128x64xf32, #tpu.memory_space<vmem>> -> memref<1x128x64xf32, #tpu.memory_space<vmem>>
      %dma_wait3A_343 = tpu.memref_squeeze %dma_wait3A_342 : memref<1x128x64xf32, #tpu.memory_space<vmem>> -> memref<128x64xf32, #tpu.memory_space<vmem>>
      %dma_wait3A_344 = arith.constant 0 : i32
      %dma_wait3A_345 = tpu.memref_slice %arg8[%add3A_338, %dma_wait3A_344] : memref<80x128xi32, #tpu.memory_space<vmem>> -> memref<1x128xi32, #tpu.memory_space<vmem>>
      %dma_wait3A_346 = tpu.memref_squeeze %dma_wait3A_345 : memref<1x128xi32, #tpu.memory_space<vmem>> -> memref<128xi32, #tpu.memory_space<vmem>>
      %dma_wait3A_347 = arith.constant 0 : i32
      %dma_wait3A_348 = arith.constant 0 : i32
      %dma_wait3A_349 = tpu.memref_slice %arg10[%dma_wait3A_347, %dma_wait3A_348] : memref<10240x64xf32, #tpu.memory_space<vmem_shared>> -> memref<10240x64xf32, #tpu.memory_space<vmem_shared>>
      tpu.wait_indirect_dma semaphore(%arg20 : memref<!tpu.dma_semaphore, #tpu.memory_space<semaphore_mem>>) src(%dma_wait3A_343 : memref<128x64xf32, #tpu.memory_space<vmem>>) dst(%dma_wait3A_349 : memref<10240x64xf32, #tpu.memory_space<vmem_shared>>)
      %add3A_350 = arith.constant 8 : i32
      %add3A_351 = arith.addi %add3A_110, %add3A_350 : i32
      %add3A_352 = arith.constant 1 : i32
      %add3A_353 = arith.addi %add3A_351, %add3A_352 : i32
      %lt3A_354 = arith.constant 80 : i32
      %lt3A_355 = arith.cmpi slt, %add3A_353, %lt3A_354 : i32
      %convert_element_type3A_356 = arith.extui %lt3A_355 : i1 to i32
      %cond3A_357 = arith.constant 0 : i32
      %cond3A_358 = arith.cmpi ne, %convert_element_type3A_356, %cond3A_357 : i32
      scf.if %cond3A_358 {
        %add3A_491 = arith.constant 8 : i32
        %add3A_492 = arith.addi %add3A_110, %add3A_491 : i32
        %add3A_493 = arith.constant 1 : i32
        %add3A_494 = arith.addi %add3A_492, %add3A_493 : i32
        %dma_start3A_495 = arith.constant 1 : i32
        %dma_start3A_496 = arith.constant 0 : i32
        %dma_start3A_497 = arith.constant 0 : i32
        %dma_start3A_498 = tpu.memref_slice %arg9[%dma_start3A_495, %dma_start3A_496, %dma_start3A_497] : memref<8x128x64xf32, #tpu.memory_space<vmem>> -> memref<1x128x64xf32, #tpu.memory_space<vmem>>
        %dma_start3A_499 = tpu.memref_squeeze %dma_start3A_498 : memref<1x128x64xf32, #tpu.memory_space<vmem>> -> memref<128x64xf32, #tpu.memory_space<vmem>>
        %dma_start3A_500 = arith.constant 0 : i32
        %dma_start3A_501 = tpu.memref_slice %arg7[%add3A_494, %dma_start3A_500] : memref<80x128xi32, #tpu.memory_space<vmem>> -> memref<1x128xi32, #tpu.memory_space<vmem>>
        %dma_start3A_502 = tpu.memref_squeeze %dma_start3A_501 : memref<1x128xi32, #tpu.memory_space<vmem>> -> memref<128xi32, #tpu.memory_space<vmem>>
        %dma_start3A_503 = arith.constant 0 : i32
        %dma_start3A_504 = arith.constant 0 : i32
        %dma_start3A_505 = tpu.memref_slice %arg2[%dma_start3A_503, %dma_start3A_504] : memref<10240x64xf32, #tpu.memory_space<hbm>> -> memref<10240x64xf32, #tpu.memory_space<hbm>>
        tpu.enqueue_indirect_dma source(%dma_start3A_505 : memref<10240x64xf32, #tpu.memory_space<hbm>>) target(%dma_start3A_499 : memref<128x64xf32, #tpu.memory_space<vmem>>) offsets(%dma_start3A_502 : memref<128xi32, #tpu.memory_space<vmem>>) semaphore(%arg12 : memref<!tpu.dma_semaphore, #tpu.memory_space<semaphore_mem>>)
      } else {
      }
      %add3A_359 = arith.constant 2 : i32
      %add3A_360 = arith.addi %add3A_110, %add3A_359 : i32
      %dma_wait3A_361 = arith.constant 2 : i32
      %dma_wait3A_362 = arith.constant 0 : i32
      %dma_wait3A_363 = arith.constant 0 : i32
      %dma_wait3A_364 = tpu.memref_slice %arg9[%dma_wait3A_361, %dma_wait3A_362, %dma_wait3A_363] : memref<8x128x64xf32, #tpu.memory_space<vmem>> -> memref<1x128x64xf32, #tpu.memory_space<vmem>>
      %dma_wait3A_365 = tpu.memref_squeeze %dma_wait3A_364 : memref<1x128x64xf32, #tpu.memory_space<vmem>> -> memref<128x64xf32, #tpu.memory_space<vmem>>
      %dma_wait3A_366 = arith.constant 0 : i32
      %dma_wait3A_367 = tpu.memref_slice %arg8[%add3A_360, %dma_wait3A_366] : memref<80x128xi32, #tpu.memory_space<vmem>> -> memref<1x128xi32, #tpu.memory_space<vmem>>
      %dma_wait3A_368 = tpu.memref_squeeze %dma_wait3A_367 : memref<1x128xi32, #tpu.memory_space<vmem>> -> memref<128xi32, #tpu.memory_space<vmem>>
      %dma_wait3A_369 = arith.constant 0 : i32
      %dma_wait3A_370 = arith.constant 0 : i32
      %dma_wait3A_371 = tpu.memref_slice %arg10[%dma_wait3A_369, %dma_wait3A_370] : memref<10240x64xf32, #tpu.memory_space<vmem_shared>> -> memref<10240x64xf32, #tpu.memory_space<vmem_shared>>
      tpu.wait_indirect_dma semaphore(%arg21 : memref<!tpu.dma_semaphore, #tpu.memory_space<semaphore_mem>>) src(%dma_wait3A_365 : memref<128x64xf32, #tpu.memory_space<vmem>>) dst(%dma_wait3A_371 : memref<10240x64xf32, #tpu.memory_space<vmem_shared>>)
      %add3A_372 = arith.constant 8 : i32
      %add3A_373 = arith.addi %add3A_110, %add3A_372 : i32
      %add3A_374 = arith.constant 2 : i32
      %add3A_375 = arith.addi %add3A_373, %add3A_374 : i32
      %lt3A_376 = arith.constant 80 : i32
      %lt3A_377 = arith.cmpi slt, %add3A_375, %lt3A_376 : i32
      %convert_element_type3A_378 = arith.extui %lt3A_377 : i1 to i32
      %cond3A_379 = arith.constant 0 : i32
      %cond3A_380 = arith.cmpi ne, %convert_element_type3A_378, %cond3A_379 : i32
      scf.if %cond3A_380 {
        %add3A_491 = arith.constant 8 : i32
        %add3A_492 = arith.addi %add3A_110, %add3A_491 : i32
        %add3A_493 = arith.constant 2 : i32
        %add3A_494 = arith.addi %add3A_492, %add3A_493 : i32
        %dma_start3A_495 = arith.constant 2 : i32
        %dma_start3A_496 = arith.constant 0 : i32
        %dma_start3A_497 = arith.constant 0 : i32
        %dma_start3A_498 = tpu.memref_slice %arg9[%dma_start3A_495, %dma_start3A_496, %dma_start3A_497] : memref<8x128x64xf32, #tpu.memory_space<vmem>> -> memref<1x128x64xf32, #tpu.memory_space<vmem>>
        %dma_start3A_499 = tpu.memref_squeeze %dma_start3A_498 : memref<1x128x64xf32, #tpu.memory_space<vmem>> -> memref<128x64xf32, #tpu.memory_space<vmem>>
        %dma_start3A_500 = arith.constant 0 : i32
        %dma_start3A_501 = tpu.memref_slice %arg7[%add3A_494, %dma_start3A_500] : memref<80x128xi32, #tpu.memory_space<vmem>> -> memref<1x128xi32, #tpu.memory_space<vmem>>
        %dma_start3A_502 = tpu.memref_squeeze %dma_start3A_501 : memref<1x128xi32, #tpu.memory_space<vmem>> -> memref<128xi32, #tpu.memory_space<vmem>>
        %dma_start3A_503 = arith.constant 0 : i32
        %dma_start3A_504 = arith.constant 0 : i32
        %dma_start3A_505 = tpu.memref_slice %arg2[%dma_start3A_503, %dma_start3A_504] : memref<10240x64xf32, #tpu.memory_space<hbm>> -> memref<10240x64xf32, #tpu.memory_space<hbm>>
        tpu.enqueue_indirect_dma source(%dma_start3A_505 : memref<10240x64xf32, #tpu.memory_space<hbm>>) target(%dma_start3A_499 : memref<128x64xf32, #tpu.memory_space<vmem>>) offsets(%dma_start3A_502 : memref<128xi32, #tpu.memory_space<vmem>>) semaphore(%arg13 : memref<!tpu.dma_semaphore, #tpu.memory_space<semaphore_mem>>)
      } else {
      }
      %add3A_381 = arith.constant 3 : i32
      %add3A_382 = arith.addi %add3A_110, %add3A_381 : i32
      %dma_wait3A_383 = arith.constant 3 : i32
      %dma_wait3A_384 = arith.constant 0 : i32
      %dma_wait3A_385 = arith.constant 0 : i32
      %dma_wait3A_386 = tpu.memref_slice %arg9[%dma_wait3A_383, %dma_wait3A_384, %dma_wait3A_385] : memref<8x128x64xf32, #tpu.memory_space<vmem>> -> memref<1x128x64xf32, #tpu.memory_space<vmem>>
      %dma_wait3A_387 = tpu.memref_squeeze %dma_wait3A_386 : memref<1x128x64xf32, #tpu.memory_space<vmem>> -> memref<128x64xf32, #tpu.memory_space<vmem>>
      %dma_wait3A_388 = arith.constant 0 : i32
      %dma_wait3A_389 = tpu.memref_slice %arg8[%add3A_382, %dma_wait3A_388] : memref<80x128xi32, #tpu.memory_space<vmem>> -> memref<1x128xi32, #tpu.memory_space<vmem>>
      %dma_wait3A_390 = tpu.memref_squeeze %dma_wait3A_389 : memref<1x128xi32, #tpu.memory_space<vmem>> -> memref<128xi32, #tpu.memory_space<vmem>>
      %dma_wait3A_391 = arith.constant 0 : i32
      %dma_wait3A_392 = arith.constant 0 : i32
      %dma_wait3A_393 = tpu.memref_slice %arg10[%dma_wait3A_391, %dma_wait3A_392] : memref<10240x64xf32, #tpu.memory_space<vmem_shared>> -> memref<10240x64xf32, #tpu.memory_space<vmem_shared>>
      tpu.wait_indirect_dma semaphore(%arg22 : memref<!tpu.dma_semaphore, #tpu.memory_space<semaphore_mem>>) src(%dma_wait3A_387 : memref<128x64xf32, #tpu.memory_space<vmem>>) dst(%dma_wait3A_393 : memref<10240x64xf32, #tpu.memory_space<vmem_shared>>)
      %add3A_394 = arith.constant 8 : i32
      %add3A_395 = arith.addi %add3A_110, %add3A_394 : i32
      %add3A_396 = arith.constant 3 : i32
      %add3A_397 = arith.addi %add3A_395, %add3A_396 : i32
      %lt3A_398 = arith.constant 80 : i32
      %lt3A_399 = arith.cmpi slt, %add3A_397, %lt3A_398 : i32
      %convert_element_type3A_400 = arith.extui %lt3A_399 : i1 to i32
      %cond3A_401 = arith.constant 0 : i32
      %cond3A_402 = arith.cmpi ne, %convert_element_type3A_400, %cond3A_401 : i32
      scf.if %cond3A_402 {
        %add3A_491 = arith.constant 8 : i32
        %add3A_492 = arith.addi %add3A_110, %add3A_491 : i32
        %add3A_493 = arith.constant 3 : i32
        %add3A_494 = arith.addi %add3A_492, %add3A_493 : i32
        %dma_start3A_495 = arith.constant 3 : i32
        %dma_start3A_496 = arith.constant 0 : i32
        %dma_start3A_497 = arith.constant 0 : i32
        %dma_start3A_498 = tpu.memref_slice %arg9[%dma_start3A_495, %dma_start3A_496, %dma_start3A_497] : memref<8x128x64xf32, #tpu.memory_space<vmem>> -> memref<1x128x64xf32, #tpu.memory_space<vmem>>
        %dma_start3A_499 = tpu.memref_squeeze %dma_start3A_498 : memref<1x128x64xf32, #tpu.memory_space<vmem>> -> memref<128x64xf32, #tpu.memory_space<vmem>>
        %dma_start3A_500 = arith.constant 0 : i32
        %dma_start3A_501 = tpu.memref_slice %arg7[%add3A_494, %dma_start3A_500] : memref<80x128xi32, #tpu.memory_space<vmem>> -> memref<1x128xi32, #tpu.memory_space<vmem>>
        %dma_start3A_502 = tpu.memref_squeeze %dma_start3A_501 : memref<1x128xi32, #tpu.memory_space<vmem>> -> memref<128xi32, #tpu.memory_space<vmem>>
        %dma_start3A_503 = arith.constant 0 : i32
        %dma_start3A_504 = arith.constant 0 : i32
        %dma_start3A_505 = tpu.memref_slice %arg2[%dma_start3A_503, %dma_start3A_504] : memref<10240x64xf32, #tpu.memory_space<hbm>> -> memref<10240x64xf32, #tpu.memory_space<hbm>>
        tpu.enqueue_indirect_dma source(%dma_start3A_505 : memref<10240x64xf32, #tpu.memory_space<hbm>>) target(%dma_start3A_499 : memref<128x64xf32, #tpu.memory_space<vmem>>) offsets(%dma_start3A_502 : memref<128xi32, #tpu.memory_space<vmem>>) semaphore(%arg14 : memref<!tpu.dma_semaphore, #tpu.memory_space<semaphore_mem>>)
      } else {
      }
      %add3A_403 = arith.constant 4 : i32
      %add3A_404 = arith.addi %add3A_110, %add3A_403 : i32
      %dma_wait3A_405 = arith.constant 4 : i32
      %dma_wait3A_406 = arith.constant 0 : i32
      %dma_wait3A_407 = arith.constant 0 : i32
      %dma_wait3A_408 = tpu.memref_slice %arg9[%dma_wait3A_405, %dma_wait3A_406, %dma_wait3A_407] : memref<8x128x64xf32, #tpu.memory_space<vmem>> -> memref<1x128x64xf32, #tpu.memory_space<vmem>>
      %dma_wait3A_409 = tpu.memref_squeeze %dma_wait3A_408 : memref<1x128x64xf32, #tpu.memory_space<vmem>> -> memref<128x64xf32, #tpu.memory_space<vmem>>
      %dma_wait3A_410 = arith.constant 0 : i32
      %dma_wait3A_411 = tpu.memref_slice %arg8[%add3A_404, %dma_wait3A_410] : memref<80x128xi32, #tpu.memory_space<vmem>> -> memref<1x128xi32, #tpu.memory_space<vmem>>
      %dma_wait3A_412 = tpu.memref_squeeze %dma_wait3A_411 : memref<1x128xi32, #tpu.memory_space<vmem>> -> memref<128xi32, #tpu.memory_space<vmem>>
      %dma_wait3A_413 = arith.constant 0 : i32
      %dma_wait3A_414 = arith.constant 0 : i32
      %dma_wait3A_415 = tpu.memref_slice %arg10[%dma_wait3A_413, %dma_wait3A_414] : memref<10240x64xf32, #tpu.memory_space<vmem_shared>> -> memref<10240x64xf32, #tpu.memory_space<vmem_shared>>
      tpu.wait_indirect_dma semaphore(%arg23 : memref<!tpu.dma_semaphore, #tpu.memory_space<semaphore_mem>>) src(%dma_wait3A_409 : memref<128x64xf32, #tpu.memory_space<vmem>>) dst(%dma_wait3A_415 : memref<10240x64xf32, #tpu.memory_space<vmem_shared>>)
      %add3A_416 = arith.constant 8 : i32
      %add3A_417 = arith.addi %add3A_110, %add3A_416 : i32
      %add3A_418 = arith.constant 4 : i32
      %add3A_419 = arith.addi %add3A_417, %add3A_418 : i32
      %lt3A_420 = arith.constant 80 : i32
      %lt3A_421 = arith.cmpi slt, %add3A_419, %lt3A_420 : i32
      %convert_element_type3A_422 = arith.extui %lt3A_421 : i1 to i32
      %cond3A_423 = arith.constant 0 : i32
      %cond3A_424 = arith.cmpi ne, %convert_element_type3A_422, %cond3A_423 : i32
      scf.if %cond3A_424 {
        %add3A_491 = arith.constant 8 : i32
        %add3A_492 = arith.addi %add3A_110, %add3A_491 : i32
        %add3A_493 = arith.constant 4 : i32
        %add3A_494 = arith.addi %add3A_492, %add3A_493 : i32
        %dma_start3A_495 = arith.constant 4 : i32
        %dma_start3A_496 = arith.constant 0 : i32
        %dma_start3A_497 = arith.constant 0 : i32
        %dma_start3A_498 = tpu.memref_slice %arg9[%dma_start3A_495, %dma_start3A_496, %dma_start3A_497] : memref<8x128x64xf32, #tpu.memory_space<vmem>> -> memref<1x128x64xf32, #tpu.memory_space<vmem>>
        %dma_start3A_499 = tpu.memref_squeeze %dma_start3A_498 : memref<1x128x64xf32, #tpu.memory_space<vmem>> -> memref<128x64xf32, #tpu.memory_space<vmem>>
        %dma_start3A_500 = arith.constant 0 : i32
        %dma_start3A_501 = tpu.memref_slice %arg7[%add3A_494, %dma_start3A_500] : memref<80x128xi32, #tpu.memory_space<vmem>> -> memref<1x128xi32, #tpu.memory_space<vmem>>
        %dma_start3A_502 = tpu.memref_squeeze %dma_start3A_501 : memref<1x128xi32, #tpu.memory_space<vmem>> -> memref<128xi32, #tpu.memory_space<vmem>>
        %dma_start3A_503 = arith.constant 0 : i32
        %dma_start3A_504 = arith.constant 0 : i32
        %dma_start3A_505 = tpu.memref_slice %arg2[%dma_start3A_503, %dma_start3A_504] : memref<10240x64xf32, #tpu.memory_space<hbm>> -> memref<10240x64xf32, #tpu.memory_space<hbm>>
        tpu.enqueue_indirect_dma source(%dma_start3A_505 : memref<10240x64xf32, #tpu.memory_space<hbm>>) target(%dma_start3A_499 : memref<128x64xf32, #tpu.memory_space<vmem>>) offsets(%dma_start3A_502 : memref<128xi32, #tpu.memory_space<vmem>>) semaphore(%arg15 : memref<!tpu.dma_semaphore, #tpu.memory_space<semaphore_mem>>)
      } else {
      }
      %add3A_425 = arith.constant 5 : i32
      %add3A_426 = arith.addi %add3A_110, %add3A_425 : i32
      %dma_wait3A_427 = arith.constant 5 : i32
      %dma_wait3A_428 = arith.constant 0 : i32
      %dma_wait3A_429 = arith.constant 0 : i32
      %dma_wait3A_430 = tpu.memref_slice %arg9[%dma_wait3A_427, %dma_wait3A_428, %dma_wait3A_429] : memref<8x128x64xf32, #tpu.memory_space<vmem>> -> memref<1x128x64xf32, #tpu.memory_space<vmem>>
      %dma_wait3A_431 = tpu.memref_squeeze %dma_wait3A_430 : memref<1x128x64xf32, #tpu.memory_space<vmem>> -> memref<128x64xf32, #tpu.memory_space<vmem>>
      %dma_wait3A_432 = arith.constant 0 : i32
      %dma_wait3A_433 = tpu.memref_slice %arg8[%add3A_426, %dma_wait3A_432] : memref<80x128xi32, #tpu.memory_space<vmem>> -> memref<1x128xi32, #tpu.memory_space<vmem>>
      %dma_wait3A_434 = tpu.memref_squeeze %dma_wait3A_433 : memref<1x128xi32, #tpu.memory_space<vmem>> -> memref<128xi32, #tpu.memory_space<vmem>>
      %dma_wait3A_435 = arith.constant 0 : i32
      %dma_wait3A_436 = arith.constant 0 : i32
      %dma_wait3A_437 = tpu.memref_slice %arg10[%dma_wait3A_435, %dma_wait3A_436] : memref<10240x64xf32, #tpu.memory_space<vmem_shared>> -> memref<10240x64xf32, #tpu.memory_space<vmem_shared>>
      tpu.wait_indirect_dma semaphore(%arg24 : memref<!tpu.dma_semaphore, #tpu.memory_space<semaphore_mem>>) src(%dma_wait3A_431 : memref<128x64xf32, #tpu.memory_space<vmem>>) dst(%dma_wait3A_437 : memref<10240x64xf32, #tpu.memory_space<vmem_shared>>)
      %add3A_438 = arith.constant 8 : i32
      %add3A_439 = arith.addi %add3A_110, %add3A_438 : i32
      %add3A_440 = arith.constant 5 : i32
      %add3A_441 = arith.addi %add3A_439, %add3A_440 : i32
      %lt3A_442 = arith.constant 80 : i32
      %lt3A_443 = arith.cmpi slt, %add3A_441, %lt3A_442 : i32
      %convert_element_type3A_444 = arith.extui %lt3A_443 : i1 to i32
      %cond3A_445 = arith.constant 0 : i32
      %cond3A_446 = arith.cmpi ne, %convert_element_type3A_444, %cond3A_445 : i32
      scf.if %cond3A_446 {
        %add3A_491 = arith.constant 8 : i32
        %add3A_492 = arith.addi %add3A_110, %add3A_491 : i32
        %add3A_493 = arith.constant 5 : i32
        %add3A_494 = arith.addi %add3A_492, %add3A_493 : i32
        %dma_start3A_495 = arith.constant 5 : i32
        %dma_start3A_496 = arith.constant 0 : i32
        %dma_start3A_497 = arith.constant 0 : i32
        %dma_start3A_498 = tpu.memref_slice %arg9[%dma_start3A_495, %dma_start3A_496, %dma_start3A_497] : memref<8x128x64xf32, #tpu.memory_space<vmem>> -> memref<1x128x64xf32, #tpu.memory_space<vmem>>
        %dma_start3A_499 = tpu.memref_squeeze %dma_start3A_498 : memref<1x128x64xf32, #tpu.memory_space<vmem>> -> memref<128x64xf32, #tpu.memory_space<vmem>>
        %dma_start3A_500 = arith.constant 0 : i32
        %dma_start3A_501 = tpu.memref_slice %arg7[%add3A_494, %dma_start3A_500] : memref<80x128xi32, #tpu.memory_space<vmem>> -> memref<1x128xi32, #tpu.memory_space<vmem>>
        %dma_start3A_502 = tpu.memref_squeeze %dma_start3A_501 : memref<1x128xi32, #tpu.memory_space<vmem>> -> memref<128xi32, #tpu.memory_space<vmem>>
        %dma_start3A_503 = arith.constant 0 : i32
        %dma_start3A_504 = arith.constant 0 : i32
        %dma_start3A_505 = tpu.memref_slice %arg2[%dma_start3A_503, %dma_start3A_504] : memref<10240x64xf32, #tpu.memory_space<hbm>> -> memref<10240x64xf32, #tpu.memory_space<hbm>>
        tpu.enqueue_indirect_dma source(%dma_start3A_505 : memref<10240x64xf32, #tpu.memory_space<hbm>>) target(%dma_start3A_499 : memref<128x64xf32, #tpu.memory_space<vmem>>) offsets(%dma_start3A_502 : memref<128xi32, #tpu.memory_space<vmem>>) semaphore(%arg16 : memref<!tpu.dma_semaphore, #tpu.memory_space<semaphore_mem>>)
      } else {
      }
      %add3A_447 = arith.constant 6 : i32
      %add3A_448 = arith.addi %add3A_110, %add3A_447 : i32
      %dma_wait3A_449 = arith.constant 6 : i32
      %dma_wait3A_450 = arith.constant 0 : i32
      %dma_wait3A_451 = arith.constant 0 : i32
      %dma_wait3A_452 = tpu.memref_slice %arg9[%dma_wait3A_449, %dma_wait3A_450, %dma_wait3A_451] : memref<8x128x64xf32, #tpu.memory_space<vmem>> -> memref<1x128x64xf32, #tpu.memory_space<vmem>>
      %dma_wait3A_453 = tpu.memref_squeeze %dma_wait3A_452 : memref<1x128x64xf32, #tpu.memory_space<vmem>> -> memref<128x64xf32, #tpu.memory_space<vmem>>
      %dma_wait3A_454 = arith.constant 0 : i32
      %dma_wait3A_455 = tpu.memref_slice %arg8[%add3A_448, %dma_wait3A_454] : memref<80x128xi32, #tpu.memory_space<vmem>> -> memref<1x128xi32, #tpu.memory_space<vmem>>
      %dma_wait3A_456 = tpu.memref_squeeze %dma_wait3A_455 : memref<1x128xi32, #tpu.memory_space<vmem>> -> memref<128xi32, #tpu.memory_space<vmem>>
      %dma_wait3A_457 = arith.constant 0 : i32
      %dma_wait3A_458 = arith.constant 0 : i32
      %dma_wait3A_459 = tpu.memref_slice %arg10[%dma_wait3A_457, %dma_wait3A_458] : memref<10240x64xf32, #tpu.memory_space<vmem_shared>> -> memref<10240x64xf32, #tpu.memory_space<vmem_shared>>
      tpu.wait_indirect_dma semaphore(%arg25 : memref<!tpu.dma_semaphore, #tpu.memory_space<semaphore_mem>>) src(%dma_wait3A_453 : memref<128x64xf32, #tpu.memory_space<vmem>>) dst(%dma_wait3A_459 : memref<10240x64xf32, #tpu.memory_space<vmem_shared>>)
      %add3A_460 = arith.constant 8 : i32
      %add3A_461 = arith.addi %add3A_110, %add3A_460 : i32
      %add3A_462 = arith.constant 6 : i32
      %add3A_463 = arith.addi %add3A_461, %add3A_462 : i32
      %lt3A_464 = arith.constant 80 : i32
      %lt3A_465 = arith.cmpi slt, %add3A_463, %lt3A_464 : i32
      %convert_element_type3A_466 = arith.extui %lt3A_465 : i1 to i32
      %cond3A_467 = arith.constant 0 : i32
      %cond3A_468 = arith.cmpi ne, %convert_element_type3A_466, %cond3A_467 : i32
      scf.if %cond3A_468 {
        %add3A_491 = arith.constant 8 : i32
        %add3A_492 = arith.addi %add3A_110, %add3A_491 : i32
        %add3A_493 = arith.constant 6 : i32
        %add3A_494 = arith.addi %add3A_492, %add3A_493 : i32
        %dma_start3A_495 = arith.constant 6 : i32
        %dma_start3A_496 = arith.constant 0 : i32
        %dma_start3A_497 = arith.constant 0 : i32
        %dma_start3A_498 = tpu.memref_slice %arg9[%dma_start3A_495, %dma_start3A_496, %dma_start3A_497] : memref<8x128x64xf32, #tpu.memory_space<vmem>> -> memref<1x128x64xf32, #tpu.memory_space<vmem>>
        %dma_start3A_499 = tpu.memref_squeeze %dma_start3A_498 : memref<1x128x64xf32, #tpu.memory_space<vmem>> -> memref<128x64xf32, #tpu.memory_space<vmem>>
        %dma_start3A_500 = arith.constant 0 : i32
        %dma_start3A_501 = tpu.memref_slice %arg7[%add3A_494, %dma_start3A_500] : memref<80x128xi32, #tpu.memory_space<vmem>> -> memref<1x128xi32, #tpu.memory_space<vmem>>
        %dma_start3A_502 = tpu.memref_squeeze %dma_start3A_501 : memref<1x128xi32, #tpu.memory_space<vmem>> -> memref<128xi32, #tpu.memory_space<vmem>>
        %dma_start3A_503 = arith.constant 0 : i32
        %dma_start3A_504 = arith.constant 0 : i32
        %dma_start3A_505 = tpu.memref_slice %arg2[%dma_start3A_503, %dma_start3A_504] : memref<10240x64xf32, #tpu.memory_space<hbm>> -> memref<10240x64xf32, #tpu.memory_space<hbm>>
        tpu.enqueue_indirect_dma source(%dma_start3A_505 : memref<10240x64xf32, #tpu.memory_space<hbm>>) target(%dma_start3A_499 : memref<128x64xf32, #tpu.memory_space<vmem>>) offsets(%dma_start3A_502 : memref<128xi32, #tpu.memory_space<vmem>>) semaphore(%arg17 : memref<!tpu.dma_semaphore, #tpu.memory_space<semaphore_mem>>)
      } else {
      }
      %add3A_469 = arith.constant 7 : i32
      %add3A_470 = arith.addi %add3A_110, %add3A_469 : i32
      %dma_wait3A_471 = arith.constant 7 : i32
      %dma_wait3A_472 = arith.constant 0 : i32
      %dma_wait3A_473 = arith.constant 0 : i32
      %dma_wait3A_474 = tpu.memref_slice %arg9[%dma_wait3A_471, %dma_wait3A_472, %dma_wait3A_473] : memref<8x128x64xf32, #tpu.memory_space<vmem>> -> memref<1x128x64xf32, #tpu.memory_space<vmem>>
      %dma_wait3A_475 = tpu.memref_squeeze %dma_wait3A_474 : memref<1x128x64xf32, #tpu.memory_space<vmem>> -> memref<128x64xf32, #tpu.memory_space<vmem>>
      %dma_wait3A_476 = arith.constant 0 : i32
      %dma_wait3A_477 = tpu.memref_slice %arg8[%add3A_470, %dma_wait3A_476] : memref<80x128xi32, #tpu.memory_space<vmem>> -> memref<1x128xi32, #tpu.memory_space<vmem>>
      %dma_wait3A_478 = tpu.memref_squeeze %dma_wait3A_477 : memref<1x128xi32, #tpu.memory_space<vmem>> -> memref<128xi32, #tpu.memory_space<vmem>>
      %dma_wait3A_479 = arith.constant 0 : i32
      %dma_wait3A_480 = arith.constant 0 : i32
      %dma_wait3A_481 = tpu.memref_slice %arg10[%dma_wait3A_479, %dma_wait3A_480] : memref<10240x64xf32, #tpu.memory_space<vmem_shared>> -> memref<10240x64xf32, #tpu.memory_space<vmem_shared>>
      tpu.wait_indirect_dma semaphore(%arg26 : memref<!tpu.dma_semaphore, #tpu.memory_space<semaphore_mem>>) src(%dma_wait3A_475 : memref<128x64xf32, #tpu.memory_space<vmem>>) dst(%dma_wait3A_481 : memref<10240x64xf32, #tpu.memory_space<vmem_shared>>)
      %add3A_482 = arith.constant 8 : i32
      %add3A_483 = arith.addi %add3A_110, %add3A_482 : i32
      %add3A_484 = arith.constant 7 : i32
      %add3A_485 = arith.addi %add3A_483, %add3A_484 : i32
      %lt3A_486 = arith.constant 80 : i32
      %lt3A_487 = arith.cmpi slt, %add3A_485, %lt3A_486 : i32
      %convert_element_type3A_488 = arith.extui %lt3A_487 : i1 to i32
      %cond3A_489 = arith.constant 0 : i32
      %cond3A_490 = arith.cmpi ne, %convert_element_type3A_488, %cond3A_489 : i32
      scf.if %cond3A_490 {
        %add3A_491 = arith.constant 8 : i32
        %add3A_492 = arith.addi %add3A_110, %add3A_491 : i32
        %add3A_493 = arith.constant 7 : i32
        %add3A_494 = arith.addi %add3A_492, %add3A_493 : i32
        %dma_start3A_495 = arith.constant 7 : i32
        %dma_start3A_496 = arith.constant 0 : i32
        %dma_start3A_497 = arith.constant 0 : i32
        %dma_start3A_498 = tpu.memref_slice %arg9[%dma_start3A_495, %dma_start3A_496, %dma_start3A_497] : memref<8x128x64xf32, #tpu.memory_space<vmem>> -> memref<1x128x64xf32, #tpu.memory_space<vmem>>
        %dma_start3A_499 = tpu.memref_squeeze %dma_start3A_498 : memref<1x128x64xf32, #tpu.memory_space<vmem>> -> memref<128x64xf32, #tpu.memory_space<vmem>>
        %dma_start3A_500 = arith.constant 0 : i32
        %dma_start3A_501 = tpu.memref_slice %arg7[%add3A_494, %dma_start3A_500] : memref<80x128xi32, #tpu.memory_space<vmem>> -> memref<1x128xi32, #tpu.memory_space<vmem>>
        %dma_start3A_502 = tpu.memref_squeeze %dma_start3A_501 : memref<1x128xi32, #tpu.memory_space<vmem>> -> memref<128xi32, #tpu.memory_space<vmem>>
        %dma_start3A_503 = arith.constant 0 : i32
        %dma_start3A_504 = arith.constant 0 : i32
        %dma_start3A_505 = tpu.memref_slice %arg2[%dma_start3A_503, %dma_start3A_504] : memref<10240x64xf32, #tpu.memory_space<hbm>> -> memref<10240x64xf32, #tpu.memory_space<hbm>>
        tpu.enqueue_indirect_dma source(%dma_start3A_505 : memref<10240x64xf32, #tpu.memory_space<hbm>>) target(%dma_start3A_499 : memref<128x64xf32, #tpu.memory_space<vmem>>) offsets(%dma_start3A_502 : memref<128xi32, #tpu.memory_space<vmem>>) semaphore(%arg18 : memref<!tpu.dma_semaphore, #tpu.memory_space<semaphore_mem>>)
      } else {
      }
    }
    %scan3A_101 = arith.constant 10 : i32
    %barrier3A_102 = arith.constant 0 : index
    tpu.barrier barrier_id(%barrier3A_102)
    %mul3A_103 = arith.constant 10240 : i32
    %mul3A_104 = arith.muli %arg0, %mul3A_103 : i32
    %add3A_105 = arith.addi %mul3A_104, %mul3A_2 : i32
    "tpu.region"() ({
      %run_scoped3A = tpu.sem_alloc : memref<!tpu.dma_semaphore, #tpu.memory_space<semaphore_mem>>
      %dma_start3A_106 = arith.constant 0 : i32
      %dma_start3A_107 = tpu.memref_slice %arg6[%add3A_105, %dma_start3A_106] : memref<20480x64xf32, #tpu.memory_space<hbm>> -> memref<640x64xf32, #tpu.memory_space<hbm>>
      %dma_start3A_108 = arith.constant 0 : i32
      %dma_start3A_109 = tpu.memref_slice %arg10[%mul3A_2, %dma_start3A_108] : memref<10240x64xf32, #tpu.memory_space<vmem_shared>> -> memref<640x64xf32, #tpu.memory_space<vmem_shared>>
      tpu.enqueue_dma source(%dma_start3A_109 : memref<640x64xf32, #tpu.memory_space<vmem_shared>>) target(%dma_start3A_107 : memref<640x64xf32, #tpu.memory_space<hbm>>) target_semaphore(%run_scoped3A : memref<!tpu.dma_semaphore, #tpu.memory_space<semaphore_mem>>)
      %dma_wait3A = arith.constant 0 : i32
      %dma_wait3A_110 = tpu.memref_slice %arg6[%add3A_105, %dma_wait3A] : memref<20480x64xf32, #tpu.memory_space<hbm>> -> memref<640x64xf32, #tpu.memory_space<hbm>>
      %dma_wait3A_111 = arith.constant 0 : i32
      %dma_wait3A_112 = tpu.memref_slice %arg10[%mul3A_2, %dma_wait3A_111] : memref<10240x64xf32, #tpu.memory_space<vmem_shared>> -> memref<640x64xf32, #tpu.memory_space<vmem_shared>>
      tpu.wait_dma2 semaphore(%run_scoped3A : memref<!tpu.dma_semaphore, #tpu.memory_space<semaphore_mem>>) src(%dma_wait3A_112 : memref<640x64xf32, #tpu.memory_space<vmem_shared>>) dst(%dma_wait3A_110 : memref<640x64xf32, #tpu.memory_space<hbm>>)
      tpu.yield
    }) : () -> ()
    return
  }
}

module attributes {stable_mosaic.version = 14 : i64} {
  func.func @_mlp_body(%arg0: i32, %arg1: memref<1024x128xf32, #tpu.memory_space<vmem>>, %arg2: memref<128x128xf32, #tpu.memory_space<vmem>>, %arg3: memref<8x128xf32, #tpu.memory_space<vmem>>, %arg4: memref<128x128xf32, #tpu.memory_space<vmem>>, %arg5: memref<8x128xf32, #tpu.memory_space<vmem>>, %arg6: memref<128x64xf32, #tpu.memory_space<vmem>>, %arg7: memref<8x64xf32, #tpu.memory_space<vmem>>, %arg8: memref<1024x16xf32, #tpu.memory_space<vmem>>, %arg9: memref<1024x16xf32, #tpu.memory_space<vmem>>, %arg10: memref<1024x16xf32, #tpu.memory_space<vmem>>, %arg11: memref<1024x16xf32, #tpu.memory_space<vmem>>, %arg12: memref<1024x64xf32, #tpu.memory_space<vmem>>, %arg13: memref<1024x64xf32, #tpu.memory_space<vmem>>, %arg14: memref<1024x64xf32, #tpu.memory_space<vmem>>, %arg15: memref<1024x64xf32, #tpu.memory_space<vmem>>) attributes {dimension_semantics = [#tpu.dimension_semantics<arbitrary>], iteration_bounds = array<i64: 10>, scalar_prefetch = 0 : i64, scratch_operands = 0 : i64, tpu.core_type = #tpu.core_type<tc>, window_params = [{transform_indices = @transform_0, window_bounds = array<i64: 1024, 128>}, {pipeline_mode = #tpu.pipeline_mode<synchronous>, transform_indices = @transform_1, window_bounds = array<i64: 128, 128>}, {pipeline_mode = #tpu.pipeline_mode<synchronous>, transform_indices = @transform_2, window_bounds = array<i64: 8, 128>}, {pipeline_mode = #tpu.pipeline_mode<synchronous>, transform_indices = @transform_3, window_bounds = array<i64: 128, 128>}, {pipeline_mode = #tpu.pipeline_mode<synchronous>, transform_indices = @transform_4, window_bounds = array<i64: 8, 128>}, {pipeline_mode = #tpu.pipeline_mode<synchronous>, transform_indices = @transform_5, window_bounds = array<i64: 128, 64>}, {pipeline_mode = #tpu.pipeline_mode<synchronous>, transform_indices = @transform_6, window_bounds = array<i64: 8, 64>}, {transform_indices = @transform_7, window_bounds = array<i64: 1024, 16>}, {transform_indices = @transform_8, window_bounds = array<i64: 1024, 16>}, {transform_indices = @transform_9, window_bounds = array<i64: 1024, 16>}, {transform_indices = @transform_10, window_bounds = array<i64: 1024, 16>}, {transform_indices = @transform_11, window_bounds = array<i64: 1024, 64>}, {transform_indices = @transform_12, window_bounds = array<i64: 1024, 64>}, {transform_indices = @transform_13, window_bounds = array<i64: 1024, 64>}, {transform_indices = @transform_14, window_bounds = array<i64: 1024, 64>}]} {
    %get3A = arith.constant 0 : index
    %get3A_0 = arith.constant 0 : index
    %get3A_1 = vector.load %arg1[%get3A, %get3A_0] : memref<1024x128xf32, #tpu.memory_space<vmem>>, vector<1024x128xf32>
    %get3A_2 = arith.constant 0 : index
    %get3A_3 = arith.constant 0 : index
    %get3A_4 = vector.load %arg2[%get3A_2, %get3A_3] : memref<128x128xf32, #tpu.memory_space<vmem>>, vector<128x128xf32>
    %dot_general3A = arith.constant dense<0.000000e+00> : vector<1024x128xf32>
    %dot_general3A_5 = tpu.matmul %get3A_1, %get3A_4, %dot_general3A {dimension_numbers = #tpu.dot_dimension_numbers<[1], [0], [0], [1], [0, 0, 1, 1], [], []>, precision = #tpu.contract_precision<fp32>, transpose_lhs_hint = false} : vector<1024x128xf32>, vector<128x128xf32>, vector<1024x128xf32> -> vector<1024x128xf32>
    %get3A_6 = arith.constant 0 : index
    %get3A_7 = arith.constant 0 : index
    %get3A_8 = vector.load %arg3[%get3A_6, %get3A_7] : memref<8x128xf32, #tpu.memory_space<vmem>>, vector<1x128xf32>
    %add3A = vector.broadcast %get3A_8 : vector<1x128xf32> to vector<1024x128xf32>
    %add3A_9 = arith.addf %dot_general3A_5, %add3A : vector<1024x128xf32>
    %max3A = arith.constant 0.000000e+00 : f32
    %max3A_10 = vector.broadcast %max3A : f32 to vector<1024x128xf32>
    %max3A_11 = arith.maximumf %add3A_9, %max3A_10 : vector<1024x128xf32>
    %get3A_12 = arith.constant 0 : index
    %get3A_13 = arith.constant 0 : index
    %get3A_14 = vector.load %arg4[%get3A_12, %get3A_13] : memref<128x128xf32, #tpu.memory_space<vmem>>, vector<128x128xf32>
    %dot_general3A_15 = arith.constant dense<0.000000e+00> : vector<1024x128xf32>
    %dot_general3A_16 = tpu.matmul %max3A_11, %get3A_14, %dot_general3A_15 {dimension_numbers = #tpu.dot_dimension_numbers<[1], [0], [0], [1], [0, 0, 1, 1], [], []>, precision = #tpu.contract_precision<fp32>, transpose_lhs_hint = false} : vector<1024x128xf32>, vector<128x128xf32>, vector<1024x128xf32> -> vector<1024x128xf32>
    %get3A_17 = arith.constant 0 : index
    %get3A_18 = arith.constant 0 : index
    %get3A_19 = vector.load %arg5[%get3A_17, %get3A_18] : memref<8x128xf32, #tpu.memory_space<vmem>>, vector<1x128xf32>
    %add3A_20 = vector.broadcast %get3A_19 : vector<1x128xf32> to vector<1024x128xf32>
    %add3A_21 = arith.addf %dot_general3A_16, %add3A_20 : vector<1024x128xf32>
    %max3A_22 = arith.constant 0.000000e+00 : f32
    %max3A_23 = vector.broadcast %max3A_22 : f32 to vector<1024x128xf32>
    %max3A_24 = arith.maximumf %add3A_21, %max3A_23 : vector<1024x128xf32>
    %get3A_25 = arith.constant 0 : index
    %get3A_26 = arith.constant 0 : index
    %get3A_27 = vector.load %arg6[%get3A_25, %get3A_26] : memref<128x64xf32, #tpu.memory_space<vmem>>, vector<128x64xf32>
    %dot_general3A_28 = arith.constant dense<0.000000e+00> : vector<1024x64xf32>
    %dot_general3A_29 = tpu.matmul %max3A_24, %get3A_27, %dot_general3A_28 {dimension_numbers = #tpu.dot_dimension_numbers<[1], [0], [0], [1], [0, 0, 1, 1], [], []>, precision = #tpu.contract_precision<fp32>, transpose_lhs_hint = false} : vector<1024x128xf32>, vector<128x64xf32>, vector<1024x64xf32> -> vector<1024x64xf32>
    %get3A_30 = arith.constant 0 : index
    %get3A_31 = arith.constant 0 : index
    %get3A_32 = vector.load %arg7[%get3A_30, %get3A_31] : memref<8x64xf32, #tpu.memory_space<vmem>>, vector<1x64xf32>
    %add3A_33 = vector.broadcast %get3A_32 : vector<1x64xf32> to vector<1024x64xf32>
    %add3A_34 = arith.addf %dot_general3A_29, %add3A_33 : vector<1024x64xf32>
    %get3A_35 = arith.constant 0 : index
    %get3A_36 = arith.constant 0 : index
    %get3A_37 = vector.load %arg8[%get3A_35, %get3A_36] : memref<1024x16xf32, #tpu.memory_space<vmem>>, vector<1024x1xf32>
    %get3A_38 = arith.constant 0 : index
    %get3A_39 = arith.constant 0 : index
    %get3A_40 = vector.load %arg9[%get3A_38, %get3A_39] : memref<1024x16xf32, #tpu.memory_space<vmem>>, vector<1024x1xf32>
    %add3A_41 = arith.addf %get3A_37, %get3A_40 : vector<1024x1xf32>
    %get3A_42 = arith.constant 0 : index
    %get3A_43 = arith.constant 0 : index
    %get3A_44 = vector.load %arg10[%get3A_42, %get3A_43] : memref<1024x16xf32, #tpu.memory_space<vmem>>, vector<1024x1xf32>
    %get3A_45 = arith.constant 0 : index
    %get3A_46 = arith.constant 0 : index
    %get3A_47 = vector.load %arg11[%get3A_45, %get3A_46] : memref<1024x16xf32, #tpu.memory_space<vmem>>, vector<1024x1xf32>
    %add3A_48 = arith.addf %get3A_44, %get3A_47 : vector<1024x1xf32>
    %max3A_49 = arith.constant 1.000000e+00 : f32
    %max3A_50 = vector.broadcast %max3A_49 : f32 to vector<1024x1xf32>
    %max3A_51 = arith.maximumf %add3A_41, %max3A_50 : vector<1024x1xf32>
    %rsqrt3A = math.rsqrt %max3A_51 : vector<1024x1xf32>
    %max3A_52 = arith.constant 1.000000e+00 : f32
    %max3A_53 = vector.broadcast %max3A_52 : f32 to vector<1024x1xf32>
    %max3A_54 = arith.maximumf %add3A_48, %max3A_53 : vector<1024x1xf32>
    %rsqrt3A_55 = math.rsqrt %max3A_54 : vector<1024x1xf32>
    %swap3A = arith.constant 0 : index
    %swap3A_56 = arith.constant 0 : index
    %swap3A_57 = vector.load %arg12[%swap3A, %swap3A_56] : memref<1024x64xf32, #tpu.memory_space<vmem>>, vector<1024x64xf32>
    tpu.vector_store %arg12[%swap3A, %swap3A_56], %add3A_34 {strides = array<i32>} : memref<1024x64xf32, #tpu.memory_space<vmem>>, vector<1024x64xf32>,
    %mul3A = vector.broadcast %rsqrt3A : vector<1024x1xf32> to vector<1024x64xf32>
    %mul3A_58 = arith.mulf %add3A_34, %mul3A : vector<1024x64xf32>
    %swap3A_59 = arith.constant 0 : index
    %swap3A_60 = arith.constant 0 : index
    %swap3A_61 = vector.load %arg13[%swap3A_59, %swap3A_60] : memref<1024x64xf32, #tpu.memory_space<vmem>>, vector<1024x64xf32>
    tpu.vector_store %arg13[%swap3A_59, %swap3A_60], %mul3A_58 {strides = array<i32>} : memref<1024x64xf32, #tpu.memory_space<vmem>>, vector<1024x64xf32>,
    %mul3A_62 = arith.constant 0.899999976 : f32
    %mul3A_63 = vector.broadcast %mul3A_62 : f32 to vector<1024x1xf32>
    %mul3A_64 = arith.mulf %mul3A_63, %rsqrt3A : vector<1024x1xf32>
    %mul3A_65 = arith.mulf %mul3A_64, %rsqrt3A_55 : vector<1024x1xf32>
    %broadcast_in_dim3A = vector.shape_cast %mul3A_65 : vector<1024x1xf32> to vector<1024x1xf32>
    %broadcast_in_dim3A_66 = vector.broadcast %broadcast_in_dim3A : vector<1024x1xf32> to vector<1024x64xf32>
    %swap3A_67 = arith.constant 0 : index
    %swap3A_68 = arith.constant 0 : index
    %swap3A_69 = vector.load %arg14[%swap3A_67, %swap3A_68] : memref<1024x64xf32, #tpu.memory_space<vmem>>, vector<1024x64xf32>
    tpu.vector_store %arg14[%swap3A_67, %swap3A_68], %broadcast_in_dim3A_66 {strides = array<i32>} : memref<1024x64xf32, #tpu.memory_space<vmem>>, vector<1024x64xf32>,
    %mul3A_70 = arith.constant 0.899999976 : f32
    %mul3A_71 = vector.broadcast %mul3A_70 : f32 to vector<1024x1xf32>
    %mul3A_72 = arith.mulf %mul3A_71, %rsqrt3A_55 : vector<1024x1xf32>
    %broadcast_in_dim3A_73 = vector.shape_cast %mul3A_72 : vector<1024x1xf32> to vector<1024x1xf32>
    %broadcast_in_dim3A_74 = vector.broadcast %broadcast_in_dim3A_73 : vector<1024x1xf32> to vector<1024x64xf32>
    %swap3A_75 = arith.constant 0 : index
    %swap3A_76 = arith.constant 0 : index
    %swap3A_77 = vector.load %arg15[%swap3A_75, %swap3A_76] : memref<1024x64xf32, #tpu.memory_space<vmem>>, vector<1024x64xf32>
    tpu.vector_store %arg15[%swap3A_75, %swap3A_76], %broadcast_in_dim3A_74 {strides = array<i32>} : memref<1024x64xf32, #tpu.memory_space<vmem>>, vector<1024x64xf32>,
    return
  }
  func.func @transform_0(%arg0: i32) -> (i32, i32) {
    %c0_i32 = arith.constant 0 : i32
    %c0_i32_0 = arith.constant 0 : i32
    return %arg0, %c0_i32 : i32, i32
  }
  func.func @transform_1(%arg0: i32) -> (i32, i32) {
    %c0_i32 = arith.constant 0 : i32
    %c0_i32_0 = arith.constant 0 : i32
    %c0_i32_1 = arith.constant 0 : i32
    return %c0_i32, %c0_i32_0 : i32, i32
  }
  func.func @transform_2(%arg0: i32) -> (i32, i32) {
    %c0_i32 = arith.constant 0 : i32
    %c0_i32_0 = arith.constant 0 : i32
    %c0_i32_1 = arith.constant 0 : i32
    return %c0_i32, %c0_i32_0 : i32, i32
  }
  func.func @transform_3(%arg0: i32) -> (i32, i32) {
    %c0_i32 = arith.constant 0 : i32
    %c0_i32_0 = arith.constant 0 : i32
    %c0_i32_1 = arith.constant 0 : i32
    return %c0_i32, %c0_i32_0 : i32, i32
  }
  func.func @transform_4(%arg0: i32) -> (i32, i32) {
    %c0_i32 = arith.constant 0 : i32
    %c0_i32_0 = arith.constant 0 : i32
    %c0_i32_1 = arith.constant 0 : i32
    return %c0_i32, %c0_i32_0 : i32, i32
  }
  func.func @transform_5(%arg0: i32) -> (i32, i32) {
    %c0_i32 = arith.constant 0 : i32
    %c0_i32_0 = arith.constant 0 : i32
    %c0_i32_1 = arith.constant 0 : i32
    return %c0_i32, %c0_i32_0 : i32, i32
  }
  func.func @transform_6(%arg0: i32) -> (i32, i32) {
    %c0_i32 = arith.constant 0 : i32
    %c0_i32_0 = arith.constant 0 : i32
    %c0_i32_1 = arith.constant 0 : i32
    return %c0_i32, %c0_i32_0 : i32, i32
  }
  func.func @transform_7(%arg0: i32) -> (i32, i32) {
    %c0_i32 = arith.constant 0 : i32
    %c0_i32_0 = arith.constant 0 : i32
    return %arg0, %c0_i32 : i32, i32
  }
  func.func @transform_8(%arg0: i32) -> (i32, i32) {
    %c0_i32 = arith.constant 0 : i32
    %c0_i32_0 = arith.constant 0 : i32
    return %arg0, %c0_i32 : i32, i32
  }
  func.func @transform_9(%arg0: i32) -> (i32, i32) {
    %c0_i32 = arith.constant 0 : i32
    %c0_i32_0 = arith.constant 0 : i32
    return %arg0, %c0_i32 : i32, i32
  }
  func.func @transform_10(%arg0: i32) -> (i32, i32) {
    %c0_i32 = arith.constant 0 : i32
    %c0_i32_0 = arith.constant 0 : i32
    return %arg0, %c0_i32 : i32, i32
  }
  func.func @transform_11(%arg0: i32) -> (i32, i32) {
    %c0_i32 = arith.constant 0 : i32
    %c0_i32_0 = arith.constant 0 : i32
    return %arg0, %c0_i32 : i32, i32
  }
  func.func @transform_12(%arg0: i32) -> (i32, i32) {
    %c0_i32 = arith.constant 0 : i32
    %c0_i32_0 = arith.constant 0 : i32
    return %arg0, %c0_i32 : i32, i32
  }
  func.func @transform_13(%arg0: i32) -> (i32, i32) {
    %c0_i32 = arith.constant 0 : i32
    %c0_i32_0 = arith.constant 0 : i32
    return %arg0, %c0_i32 : i32, i32
  }
  func.func @transform_14(%arg0: i32) -> (i32, i32) {
    %c0_i32 = arith.constant 0 : i32
    %c0_i32_0 = arith.constant 0 : i32
    return %arg0, %c0_i32 : i32, i32
  }
}

module attributes {stable_mosaic.version = 14 : i64} {
  func.func @_blend_body(%arg0: i32, %arg1: memref<1024x64xf32, #tpu.memory_space<vmem>>, %arg2: memref<1024x64xf32, #tpu.memory_space<vmem>>, %arg3: memref<1024x64xf32, #tpu.memory_space<vmem>>, %arg4: memref<1024x64xf32, #tpu.memory_space<vmem>>, %arg5: memref<1024x64xf32, #tpu.memory_space<vmem>>) attributes {dimension_semantics = [#tpu.dimension_semantics<arbitrary>], iteration_bounds = array<i64: 10>, scalar_prefetch = 0 : i64, scratch_operands = 0 : i64, tpu.core_type = #tpu.core_type<tc>, window_params = [{transform_indices = @transform_0, window_bounds = array<i64: 1024, 64>}, {transform_indices = @transform_1, window_bounds = array<i64: 1024, 64>}, {transform_indices = @transform_2, window_bounds = array<i64: 1024, 64>}, {transform_indices = @transform_3, window_bounds = array<i64: 1024, 64>}, {transform_indices = @transform_4, window_bounds = array<i64: 1024, 64>}]} {
    %get3A = arith.constant 0 : index
    %get3A_0 = arith.constant 0 : index
    %get3A_1 = vector.load %arg3[%get3A, %get3A_0] : memref<1024x64xf32, #tpu.memory_space<vmem>>, vector<1024x64xf32>
    %get3A_2 = arith.constant 0 : index
    %get3A_3 = arith.constant 0 : index
    %get3A_4 = vector.load %arg1[%get3A_2, %get3A_3] : memref<1024x64xf32, #tpu.memory_space<vmem>>, vector<1024x64xf32>
    %get3A_5 = arith.constant 0 : index
    %get3A_6 = arith.constant 0 : index
    %get3A_7 = vector.load %arg2[%get3A_5, %get3A_6] : memref<1024x64xf32, #tpu.memory_space<vmem>>, vector<1024x64xf32>
    %add3A = arith.addf %get3A_4, %get3A_7 : vector<1024x64xf32>
    %mul3A = arith.mulf %get3A_1, %add3A : vector<1024x64xf32>
    %get3A_8 = arith.constant 0 : index
    %get3A_9 = arith.constant 0 : index
    %get3A_10 = vector.load %arg4[%get3A_8, %get3A_9] : memref<1024x64xf32, #tpu.memory_space<vmem>>, vector<1024x64xf32>
    %mul3A_11 = arith.constant 1.000000e-01 : f32
    %mul3A_12 = vector.broadcast %mul3A_11 : f32 to vector<1024x64xf32>
    %mul3A_13 = arith.mulf %mul3A_12, %get3A_10 : vector<1024x64xf32>
    %add3A_14 = arith.addf %mul3A, %mul3A_13 : vector<1024x64xf32>
    %swap3A = arith.constant 0 : index
    %swap3A_15 = arith.constant 0 : index
    %swap3A_16 = vector.load %arg5[%swap3A, %swap3A_15] : memref<1024x64xf32, #tpu.memory_space<vmem>>, vector<1024x64xf32>
    tpu.vector_store %arg5[%swap3A, %swap3A_15], %add3A_14 {strides = array<i32>} : memref<1024x64xf32, #tpu.memory_space<vmem>>, vector<1024x64xf32>,
    return
  }
  func.func @transform_0(%arg0: i32) -> (i32, i32) {
    %c0_i32 = arith.constant 0 : i32
    %c0_i32_0 = arith.constant 0 : i32
    return %arg0, %c0_i32 : i32, i32
  }
  func.func @transform_1(%arg0: i32) -> (i32, i32) {
    %c0_i32 = arith.constant 0 : i32
    %c0_i32_0 = arith.constant 0 : i32
    return %arg0, %c0_i32 : i32, i32
  }
  func.func @transform_2(%arg0: i32) -> (i32, i32) {
    %c0_i32 = arith.constant 0 : i32
    %c0_i32_0 = arith.constant 0 : i32
    return %arg0, %c0_i32 : i32, i32
  }
  func.func @transform_3(%arg0: i32) -> (i32, i32) {
    %c0_i32 = arith.constant 0 : i32
    %c0_i32_0 = arith.constant 0 : i32
    return %arg0, %c0_i32 : i32, i32
  }
  func.func @transform_4(%arg0: i32) -> (i32, i32) {
    %c0_i32 = arith.constant 0 : i32
    %c0_i32_0 = arith.constant 0 : i32
    return %arg0, %c0_i32 : i32, i32
  }
}

module attributes {stable_mosaic.version = 14 : i64} {
  func.func @_blend_body(%arg0: i32, %arg1: memref<1024x64xf32, #tpu.memory_space<vmem>>, %arg2: memref<1024x64xf32, #tpu.memory_space<vmem>>, %arg3: memref<1024x64xf32, #tpu.memory_space<vmem>>, %arg4: memref<1024x64xf32, #tpu.memory_space<vmem>>, %arg5: memref<1024x64xf32, #tpu.memory_space<vmem>>) attributes {dimension_semantics = [#tpu.dimension_semantics<arbitrary>], iteration_bounds = array<i64: 10>, scalar_prefetch = 0 : i64, scratch_operands = 0 : i64, tpu.core_type = #tpu.core_type<tc>, window_params = [{transform_indices = @transform_0, window_bounds = array<i64: 1024, 64>}, {transform_indices = @transform_1, window_bounds = array<i64: 1024, 64>}, {transform_indices = @transform_2, window_bounds = array<i64: 1024, 64>}, {transform_indices = @transform_3, window_bounds = array<i64: 1024, 64>}, {transform_indices = @transform_4, window_bounds = array<i64: 1024, 64>}]} {
    %get3A = arith.constant 0 : index
    %get3A_0 = arith.constant 0 : index
    %get3A_1 = vector.load %arg3[%get3A, %get3A_0] : memref<1024x64xf32, #tpu.memory_space<vmem>>, vector<1024x64xf32>
    %get3A_2 = arith.constant 0 : index
    %get3A_3 = arith.constant 0 : index
    %get3A_4 = vector.load %arg1[%get3A_2, %get3A_3] : memref<1024x64xf32, #tpu.memory_space<vmem>>, vector<1024x64xf32>
    %get3A_5 = arith.constant 0 : index
    %get3A_6 = arith.constant 0 : index
    %get3A_7 = vector.load %arg2[%get3A_5, %get3A_6] : memref<1024x64xf32, #tpu.memory_space<vmem>>, vector<1024x64xf32>
    %add3A = arith.addf %get3A_4, %get3A_7 : vector<1024x64xf32>
    %mul3A = arith.mulf %get3A_1, %add3A : vector<1024x64xf32>
    %get3A_8 = arith.constant 0 : index
    %get3A_9 = arith.constant 0 : index
    %get3A_10 = vector.load %arg4[%get3A_8, %get3A_9] : memref<1024x64xf32, #tpu.memory_space<vmem>>, vector<1024x64xf32>
    %mul3A_11 = arith.constant 1.000000e-01 : f32
    %mul3A_12 = vector.broadcast %mul3A_11 : f32 to vector<1024x64xf32>
    %mul3A_13 = arith.mulf %mul3A_12, %get3A_10 : vector<1024x64xf32>
    %add3A_14 = arith.addf %mul3A, %mul3A_13 : vector<1024x64xf32>
    %swap3A = arith.constant 0 : index
    %swap3A_15 = arith.constant 0 : index
    %swap3A_16 = vector.load %arg5[%swap3A, %swap3A_15] : memref<1024x64xf32, #tpu.memory_space<vmem>>, vector<1024x64xf32>
    tpu.vector_store %arg5[%swap3A, %swap3A_15], %add3A_14 {strides = array<i32>} : memref<1024x64xf32, #tpu.memory_space<vmem>>, vector<1024x64xf32>,
    return
  }
  func.func @transform_0(%arg0: i32) -> (i32, i32) {
    %c0_i32 = arith.constant 0 : i32
    %c0_i32_0 = arith.constant 0 : i32
    return %arg0, %c0_i32 : i32, i32
  }
  func.func @transform_1(%arg0: i32) -> (i32, i32) {
    %c0_i32 = arith.constant 0 : i32
    %c0_i32_0 = arith.constant 0 : i32
    return %arg0, %c0_i32 : i32, i32
  }
  func.func @transform_2(%arg0: i32) -> (i32, i32) {
    %c0_i32 = arith.constant 0 : i32
    %c0_i32_0 = arith.constant 0 : i32
    return %arg0, %c0_i32 : i32, i32
  }
  func.func @transform_3(%arg0: i32) -> (i32, i32) {
    %c0_i32 = arith.constant 0 : i32
    %c0_i32_0 = arith.constant 0 : i32
    return %arg0, %c0_i32 : i32, i32
  }
  func.func @transform_4(%arg0: i32) -> (i32, i32) {
    %c0_i32 = arith.constant 0 : i32
    %c0_i32_0 = arith.constant 0 : i32
    return %arg0, %c0_i32 : i32, i32
  }
}

</mosaic_0001>

<sc_bundles>
// kernel: closed_call.11.cloned.1.call-start
scs
__scs_entry_jumppad:
0x0: {  	(pc) =	sbr.rel $0x88, $3  }
0x1: {  	(tag) =	ssettag $0x0;
	lr =	simm.s32 $0x1  }
0x2: {  	[smem:$0x3F99] =	sst lr;
	_ =	strace $0xD0000000  }
0x3: {  	_ = 	snop  }
0x4: {  	_ = 	snop  }
0x5: {  	_ = 	snop  }
0x6: {  	_ = 	snop  }
0x7: {  	_ = 	snop  }
__scs_overlays_trampoline_lowered:
0x8: {  	[smem:$0x3FA8] =	sst s0  }
0x9: {  	[smem:$0x3FA9] =	sst s1  }
0xa: {  	[smem:$0x3FAA] =	sst s2  }
0xb: {  	[smem:$0x3FAB] =	sst s3  }
0xc: {  	[smem:$0x3FAC] =	sst s4  }
0xd: {  	[smem:$0x3FAD] =	sst s5  }
0xe: {  	[smem:$0x3FAE] =	sst s6  }
0xf: {  	[smem:$0x3FAF] =	sst s7  }
0x10: {  	[smem:$0x3FB0] =	sst s8  }
0x11: {  	[smem:$0x3FB1] =	sst s9;
	s0 =	simm.s32 @!p0 $0x0  }
0x12: {  	s1 =	sld [smem:$0x3F97];
	s0 =	simm.s32 @p0 $0x1  }
0x13: {  	[smem:$0x3FB2] =	sst s0;
	s0 =	simm.s32 @!p1 $0x0  }
0x14: {  	s2 =	sld [smem:$0x3F96];
	s0 =	simm.s32 @p1 $0x1  }
0x15: {  	[smem:$0x3FB3] =	sst s0;
	s0 =	simm.s32 @!p2 $0x0  }
0x16: {  	s3 =	sld [smem:$0x3FDB];
	s0 =	simm.s32 @p2 $0x1  }
0x17: {  	s4 =	simm.s32 $0x1BF5;
	[smem:$0x3FB5] =	sst s0  }
0x18: {  	s0 =	sld [smem:$0x3F98];
	_ =	swait.ge [sflag:s4], $0x0  }
0x19: {  	s7 =	sld [smem:$0x3F99]  }
0x1a: {  	s8 =	sadd.s32 $0xFFFFE003, lr  }
0x1b: {  	s9 =	sadd.s32 $0xFFFFFEF7, lr;
	s5 =	simm.s32 $0xFFFFFFFF;
	p2 =	slt.u32 s8, $0xFFFFF086  }
0x1c: {  	p1 =	slt.u32 s9, $0xF7A;
	s5 =	simm.s32 @!p2 $0x0  }
0x1d: {  	s5 =	simm.s32 @p1 $0x1;
	p0 =	seq.s32 s7, s2  }
0x1e: {  	s7 =	smul.u32 @!p0 $0xF7A, s2;
	p2 =	seq.s32 @!p0 s5, $0x0  }
0x1f: {  	s9 =	smul.u32 $0xF7A, s1;
	s8 =	simm.s32 @!p0 $0x1BF5;
	p2 =	por !p2, p0  }
0x20: {  	[sflag:s8] =	ssyncset.s32 @!p0 $0xFFFFF086;
	s6 =	sadd.s32 @!p0 s3, s7;
	s7 =	simm.s32 @!p0 $0x108  }
0x21: {  	s3 =	sadd.s32 s3, s9;
	s6 =	sadd.s32 @!p0 $0x88, s6;
	s7 =	simm.s32 @p2 $0x1082  }
0x22: {  	[simem:s7], [sflag:s8] =	dma.local @!p0 [hbm:s6], $0xF7A  }
0x23: {  	s9 =	sor.u32 $0xD0000000, s2;
	s6 =	simm.s32 $0x108;
	_ =	swait.ge @!p0 [sflag:s8], $0x0  }
0x24: {  	s3 =	sadd.s32 $0x88, s3;
	s6 =	simm.s32 @!p1 $0x1082;
	[sflag:s4] =	ssyncset.s32 $0xFFFFF086  }
0x25: {  	[simem:s6], [sflag:s4] =	dma.local [hbm:s3], $0xF7A  }
0x26: {  	[smem:$0x3F99] =	sst s1;
	(tag) =	ssettag s2;
	_ =	strace s9  }
0x27: {  	s1 =	sld [smem:$0x3FA9]  }
0x28: {  	s2 =	sld [smem:$0x3FAA]  }
0x29: {  	s4 =	sld [smem:$0x3FAC]  }
0x2a: {  	p0 =	seq.s32 s5, $0x0;
	s5 =	sld [smem:$0x3FAD]  }
0x2b: {  	s6 =	sld [smem:$0x3FAE]  }
0x2c: {  	s7 =	sld [smem:$0x3FAF]  }
0x2d: {  	s3 =	simm.s32 $0x108;
	s8 =	sld [smem:$0x3FB0]  }
0x2e: {  	s3 =	simm.s32 @!p0 $0x1082;
	s9 =	sld [smem:$0x3FB1]  }
0x2f: {  	lr =	sadd.s32 s0, s3;
	s0 =	sld [smem:$0x3FA8]  }
0x30: {  	s3 =	sld [smem:$0x3FAB]  }
0x31: {  	[smem:$0x3FB4] =	sst s10  }
0x32: {  	s10 =	sld [smem:$0x3FB2];
	_ =	sdelay $0x3  }
0x33: {  	p0 =	seq.s32 s10, $0x1;
	s10 =	sld [smem:$0x3FB4];
	_ =	sdelay $0x3  }
0x34: {  	[smem:$0x3FB4] =	sst s10  }
0x35: {  	s10 =	sld [smem:$0x3FB3];
	_ =	sdelay $0x3  }
0x36: {  	p1 =	seq.s32 s10, $0x1;
	s10 =	sld [smem:$0x3FB4];
	_ =	sdelay $0x3  }
0x37: {  	[smem:$0x3FB4] =	sst s10  }
0x38: {  	s10 =	sld [smem:$0x3FB5]  }
0x39: {  	_ = 	snop;
	(pc) =	sbr.ind lr, $3  }
0x3a: {  	_ = 	snop  }
0x3b: {  	_ = 	snop  }
0x3c: {  	p2 =	seq.s32 s10, $0x1;
	s10 =	sld [smem:$0x3FB4]  }
0x3d: {  	_ =	shalt  }
0x3e: {  	_ =	shalt  }
0x3f: {  	_ =	shalt  }
0x40: {  	_ =	shalt  }
0x41: {  	_ =	shalt  }
0x42: {  	_ =	shalt  }
0x43: {  	_ =	shalt  }
0x44: {  	_ =	shalt  }
0x45: {  	_ =	shalt  }
0x46: {  	_ =	shalt  }
0x47: {  	_ =	shalt  }
0x48: {  	_ =	shalt  }
0x49: {  	_ =	shalt  }
0x4a: {  	_ =	shalt  }
0x4b: {  	_ =	shalt  }
0x4c: {  	_ =	shalt  }
0x4d: {  	_ =	shalt  }
0x4e: {  	_ =	shalt  }
0x4f: {  	_ =	shalt  }
0x50: {  	_ =	shalt  }
0x51: {  	_ =	shalt  }
0x52: {  	_ =	shalt  }
0x53: {  	_ =	shalt  }
0x54: {  	_ =	shalt  }
0x55: {  	_ =	shalt  }
0x56: {  	_ =	shalt  }
0x57: {  	_ =	shalt  }
0x58: {  	_ =	shalt  }
0x59: {  	_ =	shalt  }
0x5a: {  	_ =	shalt  }
0x5b: {  	_ =	shalt  }
0x5c: {  	_ =	shalt  }
0x5d: {  	_ =	shalt  }
0x5e: {  	_ =	shalt  }
0x5f: {  	_ =	shalt  }
0x60: {  	_ =	shalt  }
0x61: {  	_ =	shalt  }
0x62: {  	_ =	shalt  }
0x63: {  	_ =	shalt  }
0x64: {  	_ =	shalt  }
0x65: {  	_ =	shalt  }
0x66: {  	_ =	shalt  }
0x67: {  	_ =	shalt  }
0x68: {  	_ =	shalt  }
0x69: {  	_ =	shalt  }
0x6a: {  	_ =	shalt  }
0x6b: {  	_ =	shalt  }
0x6c: {  	_ =	shalt  }
0x6d: {  	_ =	shalt  }
0x6e: {  	_ =	shalt  }
0x6f: {  	_ =	shalt  }
0x70: {  	_ =	shalt  }
0x71: {  	_ =	shalt  }
0x72: {  	_ =	shalt  }
0x73: {  	_ =	shalt  }
0x74: {  	_ =	shalt  }
0x75: {  	_ =	shalt  }
0x76: {  	_ =	shalt  }
0x77: {  	_ =	shalt  }
0x78: {  	_ =	shalt  }
0x79: {  	_ =	shalt  }
0x7a: {  	_ =	shalt  }
0x7b: {  	_ =	shalt  }
0x7c: {  	_ =	shalt  }
0x7d: {  	_ =	shalt  }
0x7e: {  	_ =	shalt  }
0x7f: {  	_ =	shalt  }
0x80: {  	_ =	shalt  }
0x81: {  	_ =	shalt  }
0x82: {  	_ =	shalt  }
0x83: {  	_ =	shalt  }
0x84: {  	_ =	shalt  }
0x85: {  	_ =	shalt  }
0x86: {  	_ =	shalt  }
0x87: {  	_ =	shalt  }
.Lfunc_end0:
.L_simem_size_0:
called_computation_lowered:
.L_overlay_start_0:
0x88: {  	s2 =	sld [smem:$0x3FD9]  }
0x89: {  	s3 =	sld [smem:$0x3FFE];
	_ =	sdelay $0x1  }
0x8a: {  	s1 =	srdreg.scid  }
0x8b: {  	s0 =	sand.u32 $0x1, s1  }
0x8c: {  	s17 =	sshll.u32 s0, $0xA;
	s2 =	sadd.s32 s3, s2  }
0x8d: {  	s2 =	sadd.s32 s2, s17  }
0x8e: {  	[smem:$0x3FC0] =	sst s2  }
0x8f: {  	_ = 	snop  }
0x90: {  	s2 =	sld [smem:$0x3FD0];
	(tm) =	ssettm $0x1  }
0x91: {  	s18 =	sld [smem:$0x3FFB];
	_ =	sdelay $0x3  }
0x92: {  	_ =	strace s18  }
0x93: {  	s3 =	sld [smem:$0x3FFC];
	_ =	sdelay $0x3  }
0x94: {  	_ =	strace s3  }
0x95: {  	s3 =	sld [smem:$0x3FFD];
	_ =	sdelay $0x3  }
0x96: {  	_ =	strace s3  }
0x97: {  	_ =	strace $0x8FFFFFFF  }
0x98: {  	s19 =	sld [smem:$0x3FDB];
	_ =	sdelay $0x1  }
0x99: {  	s4 =	simm.s32 $_scs_section_size  }
0x9a: {  	s5 =	simm.s32 $_size__tile_overlayer_lowered;
	s6 =	simm.s32 $_tile_overlayer_lowered  }
0x9b: {  	s22 =	simm.s32 $0x1BFF;
	s21 =	sshll.u32 s6, $0x1;
	s3 =	sadd.s32 s4, s19  }
0x9c: {  	s7 =	simm.s32 $0x0;
	s20 =	sshll.u32 s5, $0x1;
	s5 =	sadd.s32 s21, s3  }
0x9d: {  	[timem:s7], [sflag:s22] =	dma.local [hbm:s5], s20  }
0x9e: {  	_ =	swait.ge [sflag:s22], s20  }
0x9f: {  	s4 =	ssub.s32 $0x0, s20;
	[sflag:s22] =	ssyncset.done $0x0  }
0xa0: {  	[sflag:s22] =	ssyncadd.s32 s4;
	_ =	sdelay $0x1  }
0xa1: {  	s23 =	simm.s32 $0x1B8B  }
0xa2: {  	_ =	swait.ge [sflag:s23], $0x1  }
0xa3: {  	[sflag:s23] =	ssyncset.done $0x0  }
0xa4: {  	s25 =	simm.s32 $0x1B8E;
	s24 =	sld [smem:$0x3FFE];
	[sflag:s23] =	ssyncadd.s32 $0xFFFFFFFF  }
0xa5: {  	s26 =	simm.s32 $execute0_lowered;
	[smem:$0x3FD2] =	sst s25  }
0xa6: {  	s5 =	sshll.u32 s26, $0x1;
	_ =	strace $0x80000049;
	[dreg:$0x1] =	wrdreg $0xFFFFFFFF  }
0xa7: {  	s28 =	simm.s32 $_size_execute0_lowered;
	s3 =	sadd.s32 s3, s5;
	[dreg:$0x0] =	wrdreg $0x0  }
0xa8: {  	s5 =	sshll.u32 s28, $0x1;
	[dreg:$0x2] =	wrdreg s3  }
0xa9: {  	[dreg:$0x3] =	wrdreg s5  }
0xaa: {  	[dreg:$0x4] =	wrdreg $0xC0  }
0xab: {  	_ =	task [dreg:s7], $0x5FFFF  }
0xac: {  	[dreg:$0x1] =	wrdreg $0xFFFFFFFF  }
0xad: {  	[dreg:$0x0] =	wrdreg $0x60  }
0xae: {  	[dreg:$0x2] =	wrdreg s24  }
0xaf: {  	[dreg:$0x3] =	wrdreg s2  }
0xb0: {  	[dreg:$0x4] =	wrdreg $0x150000  }
0xb1: {  	[dreg:$0x5] =	wrdreg $0x9  }
0xb2: {  	_ =	task.clear_ibuf [dreg:s7], $0x6FFFF;
	_ =	strace $0x90000049  }
0xb3: {  	s29 =	simm.s32 $0x9;
	_ =	strace $0x8000004B  }
0xb4: {  	_ =	swait.ge [sflag:s29], $0x1  }
0xb5: {  	[sflag:s29] =	ssyncadd.s32 $0xFFFFFFFF  }
0xb6: {  	_ =	strace $0x9000004B  }
0xb7: {  	_ =	sfence  }
0xb8: {  	s30 =	sld [smem:$0x0];
	_ =	sdelay $0x2  }
0xb9: {  	s31 =	sshll.u32 s1, $0xD;
	s1 =	sshrl.u32 s1, $0x2  }
0xba: {  	s3 =	sand.u32 $0x4000, s31;
	s1 =	sadd.s32 s1, s30  }
0xbb: {  	s0 =	sor.u32 s3, s0;
	s1 =	sshll.u32 s1, $0x11  }
0xbc: {  	s0 =	sor.u32 s1, s0  }
0xbd: {  	s0 =	sadd.s32 $0x8F2B, s0  }
0xbe: {  	[sflag:s0] =	ssyncadd.remote.s32 $0x1  }
0xbf: {  	_ =	sfence.sel $0xFFFF  }
0xc0: {  	[dreg:$0x0] =	wrdreg $0xFFFFFFFF;
	(pc) =	sbr.abs _section_cstart, $3  }
0xc1: {  	[dreg:$0x1] =	wrdreg $0xFFFFFFFF  }
0xc2: {  	_ =	task.clear_ibuf [dreg:s7], $0x2FFFF;
	_ =	strace $0x9FFFFFFF  }
0xc3: {  	(tm) =	ssettm $0x7FFFFFFF  }
tec
execute0_lowered:
.L_overlay_start_1:
0x0: {  	(tag) =	ssettag $0x1  }
0x1: {  	s0 =	srdreg.scid;
	s1 =	rddreg [dreg:$0x0]  }
0x2: {  	s9 =	stileid.u32;
	s3 =	rddreg [dreg:$0x1]  }
0x3: {  	s22 =	simm.s32 $0x0;
	s14 =	simm.s32 $0x80;
	s15 =	simm.s32 $0x5000  }
0x4: {  	s16 =	simm.s32 $0x7000;
	s18 =	simm.s32 $0x9000;
	s20 =	simm.s32 $0xB000  }
0x5: {  	s29 =	simm.s32 $0x13000;
	s30 =	simm.s32 $0x1;
	s31 =	simm.s32 $0x2  }
0x6: {  	s13 =	simm.s32 $0x5;
	s17 =	simm.s32 $0x6;
	s19 =	simm.s32 $0x7  }
0x7: {  	s21 =	simm.s32 $0x8;
	s28 =	simm.s32 $0xB;
	s0 =	sand.u32 $0x1, s0  }
0x8: {  	s2 =	sshll.u32 s9, $0x1;
	s6 =	smul.u32 $0x1400, s9;
	[smem:$0x7FF] =	sst s22  }
0x9: {  	s23 =	smul.u32 $0x28000, s9;
	s10 =	sadd.s32 $0xE9800, s1;
	s9 =	sshll.u32 s9, $0x6  }
0xa: {  	s22 =	simm.s32 $0xD000;
	s4 =	sor.u32 s0, s2;
	s2 =	rddreg [dreg:$0x2]  }
0xb: {  	s7 =	smul.u32 $0x14000, s0;
	_ =	strace $0x8000004A;
	[dreg:$0x4] =	wrdreg s10  }
0xc: {  	s0 =	ssub.s32 $0x2, s0;
	s11 =	sor.u32 $0x1C11, s9;
	s9 =	simm.s32 $0xF  }
0xd: {  	s10 =	simm.s32 $0x10;
	s5 =	smul.u32 $0x500, s4;
	s4 =	sadd.s32 $0xCE00, s1  }
0xe: {  	s24 =	sshrl.u32 s0, $0x1;
	[dreg:$0x5] =	wrdreg s11;
	s6 =	sadd.s32 s6, s7  }
0xf: {  	s7 =	sshrl.u32 s23, $0x2;
	s0 =	ssub.s32 s0, s24;
	s24 =	simm.s32 $0xF000  }
0x10: {  	s23 =	simm.s32 $0x9;
	s8 =	sadd.s32 s5, s1;
	s1 =	sadd.s32 s6, s1  }
0x11: {  	s25 =	sadd.s32 s7, s2;
	s3 =	sadd.s32 s3, s5;
	s0 =	smax.u32 s0, $0x1  }
0x12: {  	s5 =	simm.s32 $0xC;
	s7 =	simm.s32 $0xD;
	[dreg:$0x7] =	wrdreg s3  }
.Ltmp0:
0x13: {  	s6 =	simm.s32 $0x0;
	[dreg:$0x9] =	wrdreg s0;
	(pc) =	sbr.rel .LBB2_1-.Ltmp0, $4  }
0x14: {  	s26 =	sadd.s32 $0x2E00, s8;
	s1 =	sadd.s32 $0xEAC00, s1;
	[dreg:$0xb] =	wrdreg s6  }
0x15: {  	s12 =	sshrl.u32 s25, $0x3;
	s0 =	simm.s32 $0x4;
	[dreg:$0x6] =	wrdreg s26  }
0x16: {  	s25 =	simm.s32 $0xA;
	s8 =	simm.s32 $0xE;
	[dreg:$0x8] =	wrdreg s1  }
0x17: {  	s26 =	simm.s32 $0x11000;
	s1 =	simm.s32 $0x3;
	[dreg:$0xa] =	wrdreg s12  }
.LBB2_4:
0x18: {  	_ =	swait.ge [sflag:s25], $0x2000  }
0x19: {  	[sflag:s25] =	ssyncset.done $0x0  }
0x1a: {  	[sflag:s25] =	ssyncadd.s32 $0xFFFFE000  }
0x1b: {  	_ =	swait.ge [sflag:s28], $0x2000  }
0x1c: {  	[sflag:s28] =	ssyncset.done $0x0  }
0x1d: {  	[sflag:s28] =	ssyncadd.s32 $0xFFFFE000  }
0x1e: {  	_ =	swait.ge [sflag:s5], $0x2000  }
0x1f: {  	[sflag:s5] =	ssyncset.done $0x0  }
0x20: {  	[sflag:s5] =	ssyncadd.s32 $0xFFFFE000  }
0x21: {  	_ =	swait.ge [sflag:s7], $0x2000  }
0x22: {  	[sflag:s7] =	ssyncset.done $0x0  }
0x23: {  	[sflag:s7] =	ssyncadd.s32 $0xFFFFE000  }
0x24: {  	_ =	swait.ge [sflag:s8], $0x2000  }
0x25: {  	[sflag:s8] =	ssyncset.done $0x0  }
0x26: {  	[sflag:s8] =	ssyncadd.s32 $0xFFFFE000  }
0x27: {  	_ =	swait.ge [sflag:s9], $0x2000  }
0x28: {  	[sflag:s9] =	ssyncset.done $0x0  }
0x29: {  	[sflag:s9] =	ssyncadd.s32 $0xFFFFE000  }
0x2a: {  	_ =	swait.ge [sflag:s10], $0x2000  }
0x2b: {  	[sflag:s10] =	ssyncset.done $0x0  }
0x2c: {  	[sflag:s10] =	ssyncadd.s32 $0xFFFFE000  }
0x2d: {  	[bflag:$0x0] =	sbarrier.arrive $0xFFFF  }
0x2e: {  	s11 =	rddreg [dreg:$0x5]  }
0x2f: {  	s6 =	rddreg [dreg:$0x8]  }
0x30: {  	s12 =	rddreg [dreg:$0xa]  }
0x31: {  	[hbm:s6], [sflag:s11] =	dma.local [spmem:s12], $0x1400  }
0x32: {  	s6 =	simm.s32 $0x11  }
0x33: {  	_ =	swait.ge [sflag:s6], $0x1400  }
0x34: {  	s3 =	rddreg [dreg:$0xb]  }
0x35: {  	[sflag:s6] =	ssyncset.done $0x0;
	s6 =	rddreg [dreg:$0x9];
	s3 =	sadd.s32 $0x1, s3  }
0x36: {  	p0 =	sne.s32 s3, s6  }
.Ltmp1:
0x37: {  	_ = 	snop;
	(pc) =	sbr.rel @!p0 .LBB2_5-.Ltmp1, $3  }
0x38: {  	_ =	sdelay $0x1  }
0x39: {  	s6 =	simm.s32 $0x11  }
0x3a: {  	[dreg:$0xb] =	wrdreg s3;
	[sflag:s6] =	ssyncadd.s32 $0xFFFFEC00  }
.LBB2_1:
0x3b: {  	s3 =	simm.s32 $0x11;
	s6 =	rddreg [dreg:$0x4]  }
0x3c: {  	[spmem:s12], [sflag:s11] =	dma.local [hbm:s6], $0x1400  }
0x3d: {  	_ =	swait.ge [sflag:s3], $0x1400  }
0x3e: {  	[sflag:s3] =	ssyncset.done $0x0  }
0x3f: {  	s6 =	simm.s32 $0x0;
	s12 =	rddreg [dreg:$0x6];
	[sflag:s3] =	ssyncadd.s32 $0xFFFFEC00  }
0x40: {  	[tilespmem:s6], [sflag:$0x11] =	stream.linear.gather [hbm4b:s12+s6], $0x2800, $0x38;
	[tilespmem:$0x1F000] =	vst v63  }
0x41: {  	_ =	swait.ge [sflag:s3], $0x2800  }
0x42: {  	[sflag:s3] =	ssyncset.done $0x0  }
0x43: {  	s12 =	simm.s32 $0x2800;
	s11 =	rddreg [dreg:$0x7];
	[sflag:s3] =	ssyncadd.s32 $0xFFFFD800  }
0x44: {  	[tilespmem:s12], [sflag:$0x11] =	stream.linear.gather [hbm4b:s11+s6], $0x2800, $0x38;
	[tilespmem:$0x1F000] =	vst v63  }
0x45: {  	_ =	swait.ge [sflag:s3], $0x2800  }
0x46: {  	[sflag:s3] =	ssyncset.done $0x0  }
0x47: {  	[sflag:s3] =	ssyncadd.s32 $0xFFFFD800  }
0x48: {  	[bflag:$0x0] =	sbarrier.arrive $0xFFFF  }
0x49: {  	[tilespmem:s15], [sflag:$0x1] =	stream.indirect.gather [hbm4b:s4+s14], $0x40, s6, s14, $0xb8;
	[tilespmem:$0x1F000] =	vst v63  }
0x4a: {  	_ = 	snop  }
0x4b: {  	[tilespmem:s16], [sflag:$0x2] =	stream.indirect.gather [hbm4b:s4+s14], $0x40, s14, s14, $0xb8;
	[tilespmem:$0x1F000] =	vst v63  }
0x4c: {  	s6 =	simm.s32 $0x100  }
0x4d: {  	[tilespmem:s18], [sflag:$0x3] =	stream.indirect.gather [hbm4b:s4+s14], $0x40, s6, s14, $0xb8;
	[tilespmem:$0x1F000] =	vst v63  }
0x4e: {  	s11 =	simm.s32 $0x180  }
0x4f: {  	[tilespmem:s20], [sflag:$0x4] =	stream.indirect.gather [hbm4b:s4+s14], $0x40, s11, s14, $0xb8;
	[tilespmem:$0x1F000] =	vst v63  }
0x50: {  	s12 =	simm.s32 $0x200  }
0x51: {  	[tilespmem:s22], [sflag:$0x5] =	stream.indirect.gather [hbm4b:s4+s14], $0x40, s12, s14, $0xb8;
	[tilespmem:$0x1F000] =	vst v63  }
0x52: {  	s6 =	simm.s32 $0x280  }
0x53: {  	[tilespmem:s24], [sflag:$0x6] =	stream.indirect.gather [hbm4b:s4+s14], $0x40, s6, s14, $0xb8;
	[tilespmem:$0x1F000] =	vst v63  }
0x54: {  	s11 =	simm.s32 $0x300  }
0x55: {  	[tilespmem:s26], [sflag:$0x7] =	stream.indirect.gather [hbm4b:s4+s14], $0x40, s11, s14, $0xb8;
	[tilespmem:$0x1F000] =	vst v63  }
0x56: {  	s12 =	simm.s32 $0x380;
	s6 =	simm.s32 $0x0  }
0x57: {  	[tilespmem:s29], [sflag:$0x8] =	stream.indirect.gather [hbm4b:s4+s14], $0x40, s12, s14, $0xb8;
	[tilespmem:$0x1F000] =	vst v63  }
.LBB2_2:
0x58: {  	_ =	swait.ge [sflag:s30], $0x2000  }
0x59: {  	s11 =	sshra.s32 s6, $0x2;
	[sflag:s30] =	ssyncset.done $0x0  }
0x5a: {  	s12 =	sadd.s32 $0x2800, s11;
	[sflag:s30] =	ssyncadd.s32 $0xFFFFE000  }
0x5b: {  	[spmem:s2] =	stream.indirect.scatter.add.f32 [tilespmem:s15], [sflag:$0x9], $0x40, s12, s14, $0xb8;
	[tilespmem:$0x1F000] =	vst v63  }
0x5c: {  	_ =	swait.ge [sflag:s31], $0x2000  }
0x5d: {  	[sflag:s31] =	ssyncset.done $0x0  }
0x5e: {  	s3 =	sadd.s32 $0x2880, s11;
	[sflag:s31] =	ssyncadd.s32 $0xFFFFE000  }
0x5f: {  	[spmem:s2] =	stream.indirect.scatter.add.f32 [tilespmem:s16], [sflag:$0xA], $0x40, s3, s14, $0xb8;
	[tilespmem:$0x1F000] =	vst v63  }
0x60: {  	_ =	swait.ge [sflag:s1], $0x2000  }
0x61: {  	[sflag:s1] =	ssyncset.done $0x0  }
0x62: {  	s3 =	sadd.s32 $0x2900, s11;
	[sflag:s1] =	ssyncadd.s32 $0xFFFFE000  }
0x63: {  	[spmem:s2] =	stream.indirect.scatter.add.f32 [tilespmem:s18], [sflag:$0xB], $0x40, s3, s14, $0xb8;
	[tilespmem:$0x1F000] =	vst v63  }
0x64: {  	_ =	swait.ge [sflag:s0], $0x2000  }
0x65: {  	[sflag:s0] =	ssyncset.done $0x0  }
0x66: {  	s3 =	sadd.s32 $0x2980, s11;
	[sflag:s0] =	ssyncadd.s32 $0xFFFFE000  }
0x67: {  	[spmem:s2] =	stream.indirect.scatter.add.f32 [tilespmem:s20], [sflag:$0xC], $0x40, s3, s14, $0xb8;
	[tilespmem:$0x1F000] =	vst v63  }
0x68: {  	_ =	swait.ge [sflag:s13], $0x2000  }
0x69: {  	[sflag:s13] =	ssyncset.done $0x0  }
0x6a: {  	s3 =	sadd.s32 $0x2A00, s11;
	[sflag:s13] =	ssyncadd.s32 $0xFFFFE000  }
0x6b: {  	[spmem:s2] =	stream.indirect.scatter.add.f32 [tilespmem:s22], [sflag:$0xD], $0x40, s3, s14, $0xb8;
	[tilespmem:$0x1F000] =	vst v63  }
0x6c: {  	_ =	swait.ge [sflag:s17], $0x2000  }
0x6d: {  	[sflag:s17] =	ssyncset.done $0x0  }
0x6e: {  	s3 =	sadd.s32 $0x2A80, s11;
	[sflag:s17] =	ssyncadd.s32 $0xFFFFE000  }
0x6f: {  	[spmem:s2] =	stream.indirect.scatter.add.f32 [tilespmem:s24], [sflag:$0xE], $0x40, s3, s14, $0xb8;
	[tilespmem:$0x1F000] =	vst v63  }
0x70: {  	_ =	swait.ge [sflag:s19], $0x2000  }
0x71: {  	[sflag:s19] =	ssyncset.done $0x0  }
0x72: {  	s3 =	sadd.s32 $0x2B00, s11;
	[sflag:s19] =	ssyncadd.s32 $0xFFFFE000  }
0x73: {  	[spmem:s2] =	stream.indirect.scatter.add.f32 [tilespmem:s26], [sflag:$0xF], $0x40, s3, s14, $0xb8;
	[tilespmem:$0x1F000] =	vst v63  }
0x74: {  	_ =	swait.ge [sflag:s21], $0x2000  }
0x75: {  	p0 =	seq.s32 s6, $0x9000;
	[sflag:s21] =	ssyncset.done $0x0  }
.Ltmp2:
0x76: {  	s3 =	sadd.s32 $0x2B80, s11;
	[sflag:s21] =	ssyncadd.s32 $0xFFFFE000;
	(pc) =	sbr.rel @p0 .LBB2_4-.Ltmp2, $4  }
0x77: {  	[spmem:s2] =	stream.indirect.scatter.add.f32 [tilespmem:s29], [sflag:$0x10], $0x40, s3, s14, $0xb8;
	[tilespmem:$0x1F000] =	vst v63  }
0x78: {  	_ =	swait.ge [sflag:s23], $0x2000  }
0x79: {  	[sflag:s23] =	ssyncset.done $0x0  }
0x7a: {  	[sflag:s23] =	ssyncadd.s32 $0xFFFFE000  }
0x7b: {  	s12 =	sadd.s32 $0x400, s11  }
0x7c: {  	[tilespmem:s15], [sflag:$0x1] =	stream.indirect.gather [hbm4b:s4+s14], $0x40, s12, s14, $0xb8;
	[tilespmem:$0x1F000] =	vst v63  }
0x7d: {  	_ =	swait.ge [sflag:s25], $0x2000  }
0x7e: {  	[sflag:s25] =	ssyncset.done $0x0  }
0x7f: {  	s3 =	sadd.s32 $0x480, s11;
	[sflag:s25] =	ssyncadd.s32 $0xFFFFE000  }
0x80: {  	[tilespmem:s16], [sflag:$0x2] =	stream.indirect.gather [hbm4b:s4+s14], $0x40, s3, s14, $0xb8;
	[tilespmem:$0x1F000] =	vst v63  }
0x81: {  	_ =	swait.ge [sflag:s28], $0x2000  }
0x82: {  	[sflag:s28] =	ssyncset.done $0x0  }
0x83: {  	s3 =	sadd.s32 $0x500, s11;
	[sflag:s28] =	ssyncadd.s32 $0xFFFFE000  }
0x84: {  	[tilespmem:s18], [sflag:$0x3] =	stream.indirect.gather [hbm4b:s4+s14], $0x40, s3, s14, $0xb8;
	[tilespmem:$0x1F000] =	vst v63  }
0x85: {  	_ =	swait.ge [sflag:s5], $0x2000  }
0x86: {  	[sflag:s5] =	ssyncset.done $0x0  }
0x87: {  	s3 =	sadd.s32 $0x580, s11;
	[sflag:s5] =	ssyncadd.s32 $0xFFFFE000  }
0x88: {  	[tilespmem:s20], [sflag:$0x4] =	stream.indirect.gather [hbm4b:s4+s14], $0x40, s3, s14, $0xb8;
	[tilespmem:$0x1F000] =	vst v63  }
0x89: {  	_ =	swait.ge [sflag:s7], $0x2000  }
0x8a: {  	[sflag:s7] =	ssyncset.done $0x0  }
0x8b: {  	s3 =	sadd.s32 $0x600, s11;
	[sflag:s7] =	ssyncadd.s32 $0xFFFFE000  }
0x8c: {  	[tilespmem:s22], [sflag:$0x5] =	stream.indirect.gather [hbm4b:s4+s14], $0x40, s3, s14, $0xb8;
	[tilespmem:$0x1F000] =	vst v63  }
0x8d: {  	_ =	swait.ge [sflag:s8], $0x2000  }
0x8e: {  	[sflag:s8] =	ssyncset.done $0x0  }
0x8f: {  	s3 =	sadd.s32 $0x680, s11;
	[sflag:s8] =	ssyncadd.s32 $0xFFFFE000  }
0x90: {  	[tilespmem:s24], [sflag:$0x6] =	stream.indirect.gather [hbm4b:s4+s14], $0x40, s3, s14, $0xb8;
	[tilespmem:$0x1F000] =	vst v63  }
0x91: {  	_ =	swait.ge [sflag:s9], $0x2000  }
0x92: {  	[sflag:s9] =	ssyncset.done $0x0  }
0x93: {  	s3 =	sadd.s32 $0x700, s11;
	[sflag:s9] =	ssyncadd.s32 $0xFFFFE000  }
0x94: {  	[tilespmem:s26], [sflag:$0x7] =	stream.indirect.gather [hbm4b:s4+s14], $0x40, s3, s14, $0xb8;
	[tilespmem:$0x1F000] =	vst v63  }
.Ltmp3:
0x95: {  	_ = 	snop;
	(pc) =	sbr.rel .LBB2_2-.Ltmp3, $4  }
0x96: {  	_ =	swait.ge [sflag:s10], $0x2000  }
0x97: {  	[sflag:s10] =	ssyncset.done $0x0  }
0x98: {  	s6 =	sadd.s32 $0x1000, s6;
	s12 =	sadd.s32 $0x780, s11;
	[sflag:s10] =	ssyncadd.s32 $0xFFFFE000  }
0x99: {  	[tilespmem:s29], [sflag:$0x8] =	stream.indirect.gather [hbm4b:s4+s14], $0x40, s12, s14, $0xb8;
	[tilespmem:$0x1F000] =	vst v63  }
.LBB2_5:
0x9a: {  	_ =	sfence.sel $0x180000  }
0x9b: {  	[bflag:$0x0] =	sbarrier.arrive $0xFFFF  }
0x9c: {  	_ =	strace $0x9000004A  }
0x9d: {  	s0 =	stileid.u32;
	[bflag:$0x2] =	sbarrier.arrive $0xFFFF  }
0x9e: {  	p0 =	sne.s32 s0, $0x0;
	s0 =	rddreg [dreg:$0x3]  }
0x9f: {  	s0 =	sadd.s32 @!p0 $0x100000, s0  }
0xa0: {  	[sflag:s0] =	ssyncadd.tile.s32 @!p0 $0x1;
	_ =	shalt  }
.Lfunc_end2:
_tile_overlayer_lowered:
.L_overlay_start_2:
0xa1: {  	(tag) =	ssettag $0x2  }
0xa2: {  	s0 =	rddreg [dreg:$0x0];
	s2 =	stileid.u32  }
0xa3: {  	s1 =	rddreg [dreg:$0x1];
	p0 =	sne.s32 s2, $0x0  }
0xa4: {  	s3 =	rddreg [dreg:$0x2];
	[bflag:$0x3] =	sbarrier.arrive $0xFFFF;
	s2 =	simm.s32 @!p0 $0x1C11  }
0xa5: {  	[timem:s3], [sflag:s2] =	dma.local @!p0 [hbm:s0], s1  }
0xa6: {  	s0 =	simm.s32 @!p0 $0x11  }
0xa7: {  	_ =	swait.ge @!p0 [sflag:s0], s1  }
0xa8: {  	s1 =	ssub.s32 @!p0 $0x0, s1;
	[sflag:s0] =	ssyncset.done @!p0 $0x0  }
0xa9: {  	[sflag:s0] =	ssyncadd.s32 @!p0 s1  }
0xaa: {  	[bflag:$0x3] =	sbarrier.arrive $0xFFFF  }
0xab: {  	_ =	shalt  }

// kernel: kernel.5.cloned.1.call-start
scs
__scs_entry_jumppad:
0x0: {  	(pc) =	sbr.rel $0x88, $3  }
0x1: {  	(tag) =	ssettag $0x0;
	lr =	simm.s32 $0x1  }
0x2: {  	[smem:$0x3F99] =	sst lr;
	_ =	strace $0xD0000000  }
0x3: {  	_ = 	snop  }
0x4: {  	_ = 	snop  }
0x5: {  	_ = 	snop  }
0x6: {  	_ = 	snop  }
0x7: {  	_ = 	snop  }
__scs_overlays_trampoline_lowered:
0x8: {  	[smem:$0x3FA8] =	sst s0  }
0x9: {  	[smem:$0x3FA9] =	sst s1  }
0xa: {  	[smem:$0x3FAA] =	sst s2  }
0xb: {  	[smem:$0x3FAB] =	sst s3  }
0xc: {  	[smem:$0x3FAC] =	sst s4  }
0xd: {  	[smem:$0x3FAD] =	sst s5  }
0xe: {  	[smem:$0x3FAE] =	sst s6  }
0xf: {  	[smem:$0x3FAF] =	sst s7  }
0x10: {  	[smem:$0x3FB0] =	sst s8  }
0x11: {  	[smem:$0x3FB1] =	sst s9;
	s0 =	simm.s32 @!p0 $0x0  }
0x12: {  	s1 =	sld [smem:$0x3F97];
	s0 =	simm.s32 @p0 $0x1  }
0x13: {  	[smem:$0x3FB2] =	sst s0;
	s0 =	simm.s32 @!p1 $0x0  }
0x14: {  	s2 =	sld [smem:$0x3F96];
	s0 =	simm.s32 @p1 $0x1  }
0x15: {  	[smem:$0x3FB3] =	sst s0;
	s0 =	simm.s32 @!p2 $0x0  }
0x16: {  	s3 =	sld [smem:$0x3FDB];
	s0 =	simm.s32 @p2 $0x1  }
0x17: {  	s4 =	simm.s32 $0x1BF5;
	[smem:$0x3FB5] =	sst s0  }
0x18: {  	s0 =	sld [smem:$0x3F98];
	_ =	swait.ge [sflag:s4], $0x0  }
0x19: {  	s7 =	sld [smem:$0x3F99]  }
0x1a: {  	s8 =	sadd.s32 $0xFFFFE003, lr  }
0x1b: {  	s9 =	sadd.s32 $0xFFFFFEF7, lr;
	s5 =	simm.s32 $0xFFFFFFFF;
	p2 =	slt.u32 s8, $0xFFFFF086  }
0x1c: {  	p1 =	slt.u32 s9, $0xF7A;
	s5 =	simm.s32 @!p2 $0x0  }
0x1d: {  	s5 =	simm.s32 @p1 $0x1;
	p0 =	seq.s32 s7, s2  }
0x1e: {  	s7 =	smul.u32 @!p0 $0xF7A, s2;
	p2 =	seq.s32 @!p0 s5, $0x0  }
0x1f: {  	s9 =	smul.u32 $0xF7A, s1;
	s8 =	simm.s32 @!p0 $0x1BF5;
	p2 =	por !p2, p0  }
0x20: {  	[sflag:s8] =	ssyncset.s32 @!p0 $0xFFFFF086;
	s6 =	sadd.s32 @!p0 s3, s7;
	s7 =	simm.s32 @!p0 $0x108  }
0x21: {  	s3 =	sadd.s32 s3, s9;
	s6 =	sadd.s32 @!p0 $0x88, s6;
	s7 =	simm.s32 @p2 $0x1082  }
0x22: {  	[simem:s7], [sflag:s8] =	dma.local @!p0 [hbm:s6], $0xF7A  }
0x23: {  	s9 =	sor.u32 $0xD0000000, s2;
	s6 =	simm.s32 $0x108;
	_ =	swait.ge @!p0 [sflag:s8], $0x0  }
0x24: {  	s3 =	sadd.s32 $0x88, s3;
	s6 =	simm.s32 @!p1 $0x1082;
	[sflag:s4] =	ssyncset.s32 $0xFFFFF086  }
0x25: {  	[simem:s6], [sflag:s4] =	dma.local [hbm:s3], $0xF7A  }
0x26: {  	[smem:$0x3F99] =	sst s1;
	(tag) =	ssettag s2;
	_ =	strace s9  }
0x27: {  	s1 =	sld [smem:$0x3FA9]  }
0x28: {  	s2 =	sld [smem:$0x3FAA]  }
0x29: {  	s4 =	sld [smem:$0x3FAC]  }
0x2a: {  	p0 =	seq.s32 s5, $0x0;
	s5 =	sld [smem:$0x3FAD]  }
0x2b: {  	s6 =	sld [smem:$0x3FAE]  }
0x2c: {  	s7 =	sld [smem:$0x3FAF]  }
0x2d: {  	s3 =	simm.s32 $0x108;
	s8 =	sld [smem:$0x3FB0]  }
0x2e: {  	s3 =	simm.s32 @!p0 $0x1082;
	s9 =	sld [smem:$0x3FB1]  }
0x2f: {  	lr =	sadd.s32 s0, s3;
	s0 =	sld [smem:$0x3FA8]  }
0x30: {  	s3 =	sld [smem:$0x3FAB]  }
0x31: {  	[smem:$0x3FB4] =	sst s10  }
0x32: {  	s10 =	sld [smem:$0x3FB2];
	_ =	sdelay $0x3  }
0x33: {  	p0 =	seq.s32 s10, $0x1;
	s10 =	sld [smem:$0x3FB4];
	_ =	sdelay $0x3  }
0x34: {  	[smem:$0x3FB4] =	sst s10  }
0x35: {  	s10 =	sld [smem:$0x3FB3];
	_ =	sdelay $0x3  }
0x36: {  	p1 =	seq.s32 s10, $0x1;
	s10 =	sld [smem:$0x3FB4];
	_ =	sdelay $0x3  }
0x37: {  	[smem:$0x3FB4] =	sst s10  }
0x38: {  	s10 =	sld [smem:$0x3FB5]  }
0x39: {  	_ = 	snop;
	(pc) =	sbr.ind lr, $3  }
0x3a: {  	_ = 	snop  }
0x3b: {  	_ = 	snop  }
0x3c: {  	p2 =	seq.s32 s10, $0x1;
	s10 =	sld [smem:$0x3FB4]  }
0x3d: {  	_ =	shalt  }
0x3e: {  	_ =	shalt  }
0x3f: {  	_ =	shalt  }
0x40: {  	_ =	shalt  }
0x41: {  	_ =	shalt  }
0x42: {  	_ =	shalt  }
0x43: {  	_ =	shalt  }
0x44: {  	_ =	shalt  }
0x45: {  	_ =	shalt  }
0x46: {  	_ =	shalt  }
0x47: {  	_ =	shalt  }
0x48: {  	_ =	shalt  }
0x49: {  	_ =	shalt  }
0x4a: {  	_ =	shalt  }
0x4b: {  	_ =	shalt  }
0x4c: {  	_ =	shalt  }
0x4d: {  	_ =	shalt  }
0x4e: {  	_ =	shalt  }
0x4f: {  	_ =	shalt  }
0x50: {  	_ =	shalt  }
0x51: {  	_ =	shalt  }
0x52: {  	_ =	shalt  }
0x53: {  	_ =	shalt  }
0x54: {  	_ =	shalt  }
0x55: {  	_ =	shalt  }
0x56: {  	_ =	shalt  }
0x57: {  	_ =	shalt  }
0x58: {  	_ =	shalt  }
0x59: {  	_ =	shalt  }
0x5a: {  	_ =	shalt  }
0x5b: {  	_ =	shalt  }
0x5c: {  	_ =	shalt  }
0x5d: {  	_ =	shalt  }
0x5e: {  	_ =	shalt  }
0x5f: {  	_ =	shalt  }
0x60: {  	_ =	shalt  }
0x61: {  	_ =	shalt  }
0x62: {  	_ =	shalt  }
0x63: {  	_ =	shalt  }
0x64: {  	_ =	shalt  }
0x65: {  	_ =	shalt  }
0x66: {  	_ =	shalt  }
0x67: {  	_ =	shalt  }
0x68: {  	_ =	shalt  }
0x69: {  	_ =	shalt  }
0x6a: {  	_ =	shalt  }
0x6b: {  	_ =	shalt  }
0x6c: {  	_ =	shalt  }
0x6d: {  	_ =	shalt  }
0x6e: {  	_ =	shalt  }
0x6f: {  	_ =	shalt  }
0x70: {  	_ =	shalt  }
0x71: {  	_ =	shalt  }
0x72: {  	_ =	shalt  }
0x73: {  	_ =	shalt  }
0x74: {  	_ =	shalt  }
0x75: {  	_ =	shalt  }
0x76: {  	_ =	shalt  }
0x77: {  	_ =	shalt  }
0x78: {  	_ =	shalt  }
0x79: {  	_ =	shalt  }
0x7a: {  	_ =	shalt  }
0x7b: {  	_ =	shalt  }
0x7c: {  	_ =	shalt  }
0x7d: {  	_ =	shalt  }
0x7e: {  	_ =	shalt  }
0x7f: {  	_ =	shalt  }
0x80: {  	_ =	shalt  }
0x81: {  	_ =	shalt  }
0x82: {  	_ =	shalt  }
0x83: {  	_ =	shalt  }
0x84: {  	_ =	shalt  }
0x85: {  	_ =	shalt  }
0x86: {  	_ =	shalt  }
0x87: {  	_ =	shalt  }
.Lfunc_end0:
.L_simem_size_0:
called_computation.1_lowered:
.L_overlay_start_0:
0x88: {  	s2 =	sld [smem:$0x3FD9]  }
0x89: {  	s3 =	sld [smem:$0x3FFE];
	_ =	sdelay $0x1  }
0x8a: {  	s1 =	srdreg.scid  }
0x8b: {  	s0 =	sand.u32 $0x1, s1  }
0x8c: {  	s17 =	sshll.u32 s0, $0xA;
	s2 =	sadd.s32 s3, s2  }
0x8d: {  	s2 =	sadd.s32 s2, s17  }
0x8e: {  	[smem:$0x3FC0] =	sst s2  }
0x8f: {  	_ = 	snop  }
0x90: {  	s2 =	sld [smem:$0x3FD0];
	(tm) =	ssettm $0x1  }
0x91: {  	s18 =	sld [smem:$0x3FFB];
	_ =	sdelay $0x3  }
0x92: {  	_ =	strace s18  }
0x93: {  	s3 =	sld [smem:$0x3FFC];
	_ =	sdelay $0x3  }
0x94: {  	_ =	strace s3  }
0x95: {  	s3 =	sld [smem:$0x3FFD];
	_ =	sdelay $0x3  }
0x96: {  	_ =	strace s3  }
0x97: {  	_ =	strace $0x8FFFFFFF  }
0x98: {  	s19 =	sld [smem:$0x3FDB];
	_ =	sdelay $0x1  }
0x99: {  	s4 =	simm.s32 $_scs_section_size  }
0x9a: {  	s5 =	simm.s32 $_size__tile_overlayer_lowered;
	s6 =	simm.s32 $_tile_overlayer_lowered  }
0x9b: {  	s22 =	simm.s32 $0x1BFF;
	s21 =	sshll.u32 s6, $0x1;
	s3 =	sadd.s32 s4, s19  }
0x9c: {  	s7 =	simm.s32 $0x0;
	s20 =	sshll.u32 s5, $0x1;
	s5 =	sadd.s32 s21, s3  }
0x9d: {  	[timem:s7], [sflag:s22] =	dma.local [hbm:s5], s20  }
0x9e: {  	_ =	swait.ge [sflag:s22], s20  }
0x9f: {  	s4 =	ssub.s32 $0x0, s20;
	[sflag:s22] =	ssyncset.done $0x0  }
0xa0: {  	[sflag:s22] =	ssyncadd.s32 s4;
	_ =	sdelay $0x1  }
0xa1: {  	s23 =	simm.s32 $0x1B8B  }
0xa2: {  	_ =	swait.ge [sflag:s23], $0x1  }
0xa3: {  	[sflag:s23] =	ssyncset.done $0x0  }
0xa4: {  	s25 =	simm.s32 $0x1B8E;
	s24 =	sld [smem:$0x3FFE];
	[sflag:s23] =	ssyncadd.s32 $0xFFFFFFFF  }
0xa5: {  	s26 =	simm.s32 $execute0_lowered;
	[smem:$0x3FD2] =	sst s25  }
0xa6: {  	s5 =	sshll.u32 s26, $0x1;
	_ =	strace $0x80000046;
	[dreg:$0x1] =	wrdreg $0xFFFFFFFF  }
0xa7: {  	s28 =	simm.s32 $_size_execute0_lowered;
	s3 =	sadd.s32 s3, s5;
	[dreg:$0x0] =	wrdreg $0x0  }
0xa8: {  	s5 =	sshll.u32 s28, $0x1;
	[dreg:$0x2] =	wrdreg s3  }
0xa9: {  	[dreg:$0x3] =	wrdreg s5  }
0xaa: {  	[dreg:$0x4] =	wrdreg $0xC0  }
0xab: {  	_ =	task [dreg:s7], $0x5FFFF  }
0xac: {  	[dreg:$0x1] =	wrdreg $0xFFFFFFFF  }
0xad: {  	[dreg:$0x0] =	wrdreg $0x60  }
0xae: {  	[dreg:$0x2] =	wrdreg s24  }
0xaf: {  	[dreg:$0x3] =	wrdreg s2  }
0xb0: {  	[dreg:$0x4] =	wrdreg $0x58000  }
0xb1: {  	[dreg:$0x5] =	wrdreg $0x80000  }
0xb2: {  	[dreg:$0x6] =	wrdreg $0x9  }
0xb3: {  	_ =	task.clear_ibuf [dreg:s7], $0x7FFFF;
	_ =	strace $0x90000046  }
0xb4: {  	s29 =	simm.s32 $0x9;
	_ =	strace $0x80000048  }
0xb5: {  	_ =	swait.ge [sflag:s29], $0x1  }
0xb6: {  	[sflag:s29] =	ssyncadd.s32 $0xFFFFFFFF  }
0xb7: {  	_ =	strace $0x90000048  }
0xb8: {  	_ =	sfence  }
0xb9: {  	s30 =	sld [smem:$0x0];
	_ =	sdelay $0x2  }
0xba: {  	s31 =	sshll.u32 s1, $0xD;
	s1 =	sshrl.u32 s1, $0x2  }
0xbb: {  	s3 =	sand.u32 $0x4000, s31;
	s1 =	sadd.s32 s1, s30  }
0xbc: {  	s0 =	sor.u32 s3, s0;
	s1 =	sshll.u32 s1, $0x11  }
0xbd: {  	s0 =	sor.u32 s1, s0  }
0xbe: {  	s0 =	sadd.s32 $0x8F2B, s0  }
0xbf: {  	[sflag:s0] =	ssyncadd.remote.s32 $0x1  }
0xc0: {  	_ =	sfence.sel $0xFFFF  }
0xc1: {  	[dreg:$0x0] =	wrdreg $0xFFFFFFFF;
	(pc) =	sbr.abs _section_cstart, $3  }
0xc2: {  	[dreg:$0x1] =	wrdreg $0xFFFFFFFF  }
0xc3: {  	_ =	task.clear_ibuf [dreg:s7], $0x2FFFF;
	_ =	strace $0x9FFFFFFF  }
0xc4: {  	(tm) =	ssettm $0x7FFFFFFF  }
0xc5: {  	_ =	shalt  }
tec
execute0_lowered:
.L_overlay_start_1:
0x0: {  	(tag) =	ssettag $0x1  }
0x1: {  	s7 =	rddreg [dreg:$0x0]  }
0x2: {  	s9 =	rddreg [dreg:$0x1]  }
0x3: {  	s1 =	srdreg.scid;
	s2 =	rddreg [dreg:$0x2]  }
0x4: {  	s0 =	stileid.u32;
	s3 =	rddreg [dreg:$0x3];
	s4 =	simm.s32 $0x0  }
0x5: {  	s18 =	simm.s32 $0x80;
	s19 =	simm.s32 $0x1;
	s20 =	simm.s32 $0x0  }
0x6: {  	s6 =	sand.u32 $0x1, s1;
	s28 =	sshll.u32 s0, $0x1;
	s8 =	smul.u32 $0x280, s0  }
0x7: {  	[smem:$0x7FF] =	sst s4;
	s5 =	sadd.s32 $0xCE00, s7;
	s13 =	smul.u32 $0x2800, s0  }
0x8: {  	s31 =	sshll.u32 s0, $0x6;
	s1 =	sor.u32 s6, s28;
	s11 =	smul.u32 $0x2800, s6  }
0x9: {  	s29 =	ssub.s32 $0x2, s6;
	s6 =	sadd.s32 $0xD000, s7;
	s10 =	smul.u32 $0x500, s1  }
0xa: {  	s1 =	rddreg [dreg:$0x4];
	_ =	strace $0x80000047;
	s30 =	sshrl.u32 s29, $0x1  }
0xb: {  	s16 =	sadd.s32 s13, s2;
	s17 =	sadd.s32 s13, s3;
	s8 =	sadd.s32 s8, s11  }
0xc: {  	s15 =	ssub.s32 s29, s30;
	s13 =	sshrl.u32 s16, $0x3;
	s16 =	simm.s32 $0x5000  }
0xd: {  	s12 =	sadd.s32 s10, s7;
	s8 =	sshll.u32 s8, $0x1;
	s9 =	sadd.s32 s9, s10  }
0xe: {  	s14 =	sadd.s32 s8, s7;
	s7 =	sor.u32 $0x1C02, s31;
	s8 =	sadd.s32 $0x2E00, s12  }
0xf: {  	s12 =	smax.u32 s15, $0x1;
	s15 =	sshrl.u32 s17, $0x3;
	s17 =	simm.s32 $0x2800  }
0x10: {  	s10 =	sadd.s32 $0x17600, s14;
	s11 =	sadd.s32 $0xD600, s14;
	s14 =	simm.s32 $0x2  }
.LBB2_1:
0x11: {  	[spmem:s13], [sflag:s7] =	dma.local [hbm:s6], $0x500  }
0x12: {  	_ =	swait.ge [sflag:s14], $0x500  }
0x13: {  	[sflag:s14] =	ssyncset.done $0x0  }
0x14: {  	[sflag:s14] =	ssyncadd.s32 $0xFFFFFB00  }
0x15: {  	[spmem:s15], [sflag:s7] =	dma.local [hbm:s6], $0x500  }
0x16: {  	_ =	swait.ge [sflag:s14], $0x500  }
0x17: {  	[sflag:s14] =	ssyncset.done $0x0  }
0x18: {  	[sflag:s14] =	ssyncadd.s32 $0xFFFFFB00  }
0x19: {  	[tilespmem:s16], [sflag:$0x2] =	stream.linear.gather [hbm4b:s5+s4], $0x800, $0x38;
	[tilespmem:$0xA800] =	vst v63  }
0x1a: {  	_ =	swait.ge [sflag:s14], $0x800  }
0x1b: {  	[sflag:s14] =	ssyncset.done $0x0  }
0x1c: {  	[sflag:s14] =	ssyncadd.s32 $0xFFFFF800  }
0x1d: {  	[tilespmem:s4], [sflag:$0x2] =	stream.linear.gather [hbm4b:s8+s4], $0x2800, $0x38;
	[tilespmem:$0xA800] =	vst v63  }
0x1e: {  	_ =	swait.ge [sflag:s14], $0x2800  }
0x1f: {  	[sflag:s14] =	ssyncset.done $0x0  }
0x20: {  	[sflag:s14] =	ssyncadd.s32 $0xFFFFD800  }
0x21: {  	[tilespmem:s17], [sflag:$0x2] =	stream.linear.gather [hbm4b:s9+s4], $0x2800, $0x38;
	[tilespmem:$0xA800] =	vst v63  }
0x22: {  	_ =	swait.ge [sflag:s14], $0x2800  }
0x23: {  	[sflag:s14] =	ssyncset.done $0x0  }
0x24: {  	[sflag:s14] =	ssyncadd.s32 $0xFFFFD800  }
0x25: {  	s21 =	simm.s32 $0x0;
	[bflag:$0x0] =	sbarrier.arrive $0xFFFF  }
0x26: {  	[spmem:s2] =	stream.indirect.scatter.add.f32 [tilespmem:s16], [sflag:$0x1], $0x10, s21, s18, $0xb8;
	[tilespmem:$0xA800] =	vst v63  }
0x27: {  	s29 =	simm.s32 $0x2800  }
0x28: {  	[spmem:s3] =	stream.indirect.scatter.add.f32 [tilespmem:s16], [sflag:$0x1], $0x10, s29, s18, $0xb8;
	[tilespmem:$0xA800] =	vst v63  }
0x29: {  	s30 =	simm.s32 $0x80  }
0x2a: {  	[spmem:s2] =	stream.indirect.scatter.add.f32 [tilespmem:s16], [sflag:$0x1], $0x10, s30, s18, $0xb8;
	[tilespmem:$0xA800] =	vst v63  }
0x2b: {  	s31 =	simm.s32 $0x2880  }
0x2c: {  	[spmem:s3] =	stream.indirect.scatter.add.f32 [tilespmem:s16], [sflag:$0x1], $0x10, s31, s18, $0xb8;
	[tilespmem:$0xA800] =	vst v63  }
0x2d: {  	_ =	swait.ge [sflag:s19], $0x800  }
0x2e: {  	[sflag:s19] =	ssyncset.done $0x0  }
0x2f: {  	[sflag:s19] =	ssyncadd.s32 $0xFFFFF800  }
0x30: {  	_ =	swait.ge [sflag:s19], $0x800  }
0x31: {  	[sflag:s19] =	ssyncset.done $0x0  }
0x32: {  	[sflag:s19] =	ssyncadd.s32 $0xFFFFF800  }
0x33: {  	_ =	swait.ge [sflag:s19], $0x800  }
0x34: {  	[sflag:s19] =	ssyncset.done $0x0  }
0x35: {  	[sflag:s19] =	ssyncadd.s32 $0xFFFFF800  }
0x36: {  	_ =	swait.ge [sflag:s19], $0x800  }
0x37: {  	s22 =	simm.s32 $0x800;
	s21 =	simm.s32 $0x400;
	[sflag:s19] =	ssyncset.done $0x0  }
.LBB2_2:
0x38: {  	s23 =	sshra.s32 s21, $0x2  }
0x39: {  	[sflag:s19] =	ssyncadd.s32 $0xFFFFF800;
	s21 =	smov.u32 s22;
	s24 =	sadd.s32 $0x400, s22  }
0x3a: {  	[spmem:s2] =	stream.indirect.scatter.add.f32 [tilespmem:s16], [sflag:$0x1], $0x10, s23, s18, $0xb8;
	[tilespmem:$0xA800] =	vst v63  }
0x3b: {  	p0 =	sne.s32 s22, $0x9C00;
	s22 =	sadd.s32 $0x2800, s23  }
0x3c: {  	[spmem:s3] =	stream.indirect.scatter.add.f32 [tilespmem:s16], [sflag:$0x1], $0x10, s22, s18, $0xb8;
	[tilespmem:$0xA800] =	vst v63  }
0x3d: {  	s22 =	sadd.s32 $0x80, s23  }
0x3e: {  	[spmem:s2] =	stream.indirect.scatter.add.f32 [tilespmem:s16], [sflag:$0x1], $0x10, s22, s18, $0xb8;
	[tilespmem:$0xA800] =	vst v63  }
0x3f: {  	s22 =	sadd.s32 $0x2880, s23  }
0x40: {  	[spmem:s3] =	stream.indirect.scatter.add.f32 [tilespmem:s16], [sflag:$0x1], $0x10, s22, s18, $0xb8;
	[tilespmem:$0xA800] =	vst v63  }
0x41: {  	_ =	swait.ge [sflag:s19], $0x800  }
0x42: {  	[sflag:s19] =	ssyncset.done $0x0  }
0x43: {  	[sflag:s19] =	ssyncadd.s32 $0xFFFFF800  }
0x44: {  	_ =	swait.ge [sflag:s19], $0x800  }
0x45: {  	[sflag:s19] =	ssyncset.done $0x0  }
0x46: {  	[sflag:s19] =	ssyncadd.s32 $0xFFFFF800  }
.Ltmp0:
0x47: {  	_ =	swait.ge [sflag:s19], $0x800;
	(pc) =	sbr.rel @p0 .LBB2_2-.Ltmp0, $4  }
0x48: {  	[sflag:s19] =	ssyncset.done $0x0  }
0x49: {  	[sflag:s19] =	ssyncadd.s32 $0xFFFFF800  }
0x4a: {  	_ =	swait.ge [sflag:s19], $0x800  }
0x4b: {  	s22 =	smov.u32 s24;
	[sflag:s19] =	ssyncset.done $0x0  }
0x4c: {  	s21 =	sshra.s32 s21, $0x2;
	[sflag:s19] =	ssyncadd.s32 $0xFFFFF800  }
0x4d: {  	[spmem:s2] =	stream.indirect.scatter.add.f32 [tilespmem:s16], [sflag:$0x1], $0x10, s21, s18, $0xb8;
	[tilespmem:$0xA800] =	vst v63  }
0x4e: {  	s22 =	sadd.s32 $0x2800, s21  }
0x4f: {  	[spmem:s3] =	stream.indirect.scatter.add.f32 [tilespmem:s16], [sflag:$0x1], $0x10, s22, s18, $0xb8;
	[tilespmem:$0xA800] =	vst v63  }
0x50: {  	s31 =	sadd.s32 $0x80, s21  }
0x51: {  	[spmem:s2] =	stream.indirect.scatter.add.f32 [tilespmem:s16], [sflag:$0x1], $0x10, s31, s18, $0xb8;
	[tilespmem:$0xA800] =	vst v63  }
0x52: {  	s21 =	sadd.s32 $0x2880, s21  }
0x53: {  	[spmem:s3] =	stream.indirect.scatter.add.f32 [tilespmem:s16], [sflag:$0x1], $0x10, s21, s18, $0xb8;
	[tilespmem:$0xA800] =	vst v63  }
0x54: {  	_ =	swait.ge [sflag:s19], $0x800  }
0x55: {  	[sflag:s19] =	ssyncset.done $0x0  }
0x56: {  	[sflag:s19] =	ssyncadd.s32 $0xFFFFF800  }
0x57: {  	_ =	swait.ge [sflag:s19], $0x800  }
0x58: {  	[sflag:s19] =	ssyncset.done $0x0  }
0x59: {  	[sflag:s19] =	ssyncadd.s32 $0xFFFFF800  }
0x5a: {  	_ =	swait.ge [sflag:s19], $0x800  }
0x5b: {  	[sflag:s19] =	ssyncset.done $0x0  }
0x5c: {  	[sflag:s19] =	ssyncadd.s32 $0xFFFFF800  }
0x5d: {  	_ =	swait.ge [sflag:s19], $0x800  }
0x5e: {  	[sflag:s19] =	ssyncset.done $0x0  }
0x5f: {  	[sflag:s19] =	ssyncadd.s32 $0xFFFFF800  }
0x60: {  	[bflag:$0x0] =	sbarrier.arrive $0xFFFF  }
0x61: {  	[hbm:s10], [sflag:s7] =	dma.local [spmem:s13], $0x500  }
0x62: {  	s20 =	sadd.s32 $0x1, s20;
	_ =	swait.ge [sflag:s14], $0x500  }
0x63: {  	p0 =	sne.s32 s20, s12;
	[sflag:s14] =	ssyncset.done $0x0  }
.Ltmp1:
0x64: {  	[sflag:s14] =	ssyncadd.s32 $0xFFFFFB00;
	(pc) =	sbr.rel @p0 .LBB2_1-.Ltmp1, $4  }
0x65: {  	[hbm:s11], [sflag:s7] =	dma.local [spmem:s15], $0x500  }
0x66: {  	_ =	swait.ge [sflag:s14], $0x500  }
0x67: {  	[sflag:s14] =	ssyncset.done $0x0  }
0x68: {  	[sflag:s14] =	ssyncadd.s32 $0xFFFFFB00  }
0x69: {  	_ =	sfence.sel $0x180000  }
0x6a: {  	[bflag:$0x0] =	sbarrier.arrive $0xFFFF  }
0x6b: {  	p0 =	sne.s32 s0, $0x0;
	_ =	strace $0x90000047  }
0x6c: {  	s0 =	sadd.s32 @!p0 $0x100000, s1;
	[bflag:$0x2] =	sbarrier.arrive $0xFFFF  }
0x6d: {  	[sflag:s0] =	ssyncadd.tile.s32 @!p0 $0x1;
	_ =	shalt  }
.Lfunc_end2:
_tile_overlayer_lowered:
.L_overlay_start_2:
0x6e: {  	(tag) =	ssettag $0x2  }
0x6f: {  	s0 =	rddreg [dreg:$0x0];
	s2 =	stileid.u32  }
0x70: {  	s1 =	rddreg [dreg:$0x1];
	p0 =	sne.s32 s2, $0x0  }
0x71: {  	s3 =	rddreg [dreg:$0x2];
	[bflag:$0x3] =	sbarrier.arrive $0xFFFF;
	s2 =	simm.s32 @!p0 $0x1C02  }
0x72: {  	[timem:s3], [sflag:s2] =	dma.local @!p0 [hbm:s0], s1  }
0x73: {  	s0 =	simm.s32 @!p0 $0x2  }
0x74: {  	_ =	swait.ge @!p0 [sflag:s0], s1  }
0x75: {  	s1 =	ssub.s32 @!p0 $0x0, s1;
	[sflag:s0] =	ssyncset.done @!p0 $0x0  }
0x76: {  	[sflag:s0] =	ssyncadd.s32 @!p0 s1  }
0x77: {  	[bflag:$0x3] =	sbarrier.arrive $0xFFFF  }
0x78: {  	_ =	shalt  }

</sc_bundles>
